<compile_context>
chip_gen: v7x
topology: tpu7x:2x2x1
jax: 0.10.2.dev20260603
libtpu: 0.0.44.dev20260713+nightly
codegen_flags: <defaults>
</compile_context>

<pallas_src>
import functools

import jax
import jax.numpy as jnp
from jax import lax
from jax.experimental import pallas as pl
from jax.experimental.pallas import tpu as pltpu
from jax.experimental.pallas import tpu_sc as plsc

N = 10000
E = 320000
D = 128
EPS = 1e-5

NC, NS, LANES = 2, 16, 16
NW = NC * NS
B = 128
NB = 2
K = -(-E // (NW * B * NB)) * NB
EPT = K * B
EPAD = NW * EPT
NACC = ((N + 1 + 255) // 256) * 256
ROWS = NACC // NS
_mesh = plsc.VectorSubcoreMesh(core_axis_name="c", subcore_axis_name="s")

GW = 128


@functools.partial(
    pl.kernel,
    out_type=jax.ShapeDtypeStruct((NC, NACC, GW), jnp.float32),
    mesh=_mesh,
    scratch_types=[
        pltpu.VMEM((K, B), jnp.int32),
        pltpu.VMEM((B, GW), jnp.float32),
        pltpu.VMEM_SHARED((NACC, GW), jnp.float32),
    ],
)
def _sc_deg(dst_hbm, ones_hbm, zeros_hbm, degp_hbm, dst_v, ones_v, acc_sh):
    cid = lax.axis_index("c")
    sid = lax.axis_index("s")
    wid = cid * NS + sid
    pltpu.sync_copy(zeros_hbm.at[pl.ds(sid * ROWS, ROWS)],
                    acc_sh.at[pl.ds(sid * ROWS, ROWS)])
    pltpu.sync_copy(ones_hbm, ones_v)
    pltpu.sync_copy(dst_hbm.at[wid], dst_v)
    plsc.subcore_barrier()

    def body(j, c):
        pltpu.sync_copy(ones_v, acc_sh.at[dst_v.at[j]], add=True)
        return c

    lax.fori_loop(0, K, body, 0)
    plsc.subcore_barrier()
    pltpu.sync_copy(acc_sh.at[pl.ds(sid * ROWS, ROWS)],
                    degp_hbm.at[cid, pl.ds(sid * ROWS, ROWS)])


CH = 40

@functools.partial(
    pl.kernel,
    out_type=jax.ShapeDtypeStruct((NC, NACC, D), jnp.float32),
    mesh=_mesh,
    scratch_types=[
        pltpu.VMEM((CH, 2, B), jnp.int32),
        [pltpu.VMEM((B, D), jnp.float32)] * NB,
        pltpu.VMEM_SHARED((NACC, D), jnp.float32),
        [pltpu.SemaphoreType.DMA] * NB,
    ],
)
def _sc_msg(y_hbm, idx_hbm, zeros_hbm, accp_hbm, ibuf, gbufs, acc_sh, sems):
    cid = lax.axis_index("c")
    sid = lax.axis_index("s")
    wid = cid * NS + sid
    pltpu.sync_copy(zeros_hbm.at[pl.ds(sid * ROWS, ROWS)],
                    acc_sh.at[pl.ds(sid * ROWS, ROWS)])
    plsc.subcore_barrier()

    def blk_body(bi, c):
        pltpu.sync_copy(idx_hbm.at[wid, pl.ds(bi * CH, CH)], ibuf)
        for bb in range(NB):
            pltpu.async_copy(y_hbm.at[ibuf.at[bb, 0]], gbufs[bb], sems[bb])

        def body(ii, c2):
            for bb in range(NB):
                i = ii * NB + bb
                pltpu.make_async_copy(y_hbm.at[ibuf.at[i, 0]], gbufs[bb],
                                      sems[bb]).wait()
                pltpu.sync_copy(gbufs[bb], acc_sh.at[ibuf.at[i, 1]], add=True)

                @pl.when(i + NB < CH)
                def _():
                    pltpu.async_copy(y_hbm.at[ibuf.at[i + NB, 0]], gbufs[bb],
                                     sems[bb])
            return c2

        lax.fori_loop(0, CH // NB, body, 0)
        return c

    lax.fori_loop(0, K // CH, blk_body, 0)
    plsc.subcore_barrier()
    pltpu.sync_copy(acc_sh.at[pl.ds(sid * ROWS, ROWS)],
                    accp_hbm.at[cid, pl.ds(sid * ROWS, ROWS)])


def _tc_prep_body(f_ref, w_ref, degp_ref, y_ref):
    deg = degp_ref[0, 0:N, 0:1] + degp_ref[1, 0:N, 0:1] + 1.0
    dis = lax.rsqrt(deg)
    x = jnp.dot(f_ref[...], w_ref[...],
                preferred_element_type=jnp.float32,
                precision=lax.Precision.HIGHEST)
    y_ref[...] = x * dis


_tc_prep = pl.pallas_call(
    _tc_prep_body,
    out_shape=jax.ShapeDtypeStruct((N, D), jnp.float32),
)


def _tc_fin_body(accp_ref, degp_ref, y_ref, b_ref, g_ref, be_ref, out_ref):
    deg = degp_ref[0, 0:N, 0:1] + degp_ref[1, 0:N, 0:1] + 1.0
    dis = lax.rsqrt(deg)
    t = (accp_ref[0, 0:N, :] + accp_ref[1, 0:N, :] + y_ref[...]) * dis
    t = t + b_ref[...]
    mean = jnp.mean(t, axis=0, keepdims=True)
    cen = t - mean
    var = jnp.mean(cen * cen, axis=0, keepdims=True)
    out_ref[...] = cen * lax.rsqrt(var + EPS) * g_ref[...] + be_ref[...]


_tc_fin = pl.pallas_call(
    _tc_fin_body,
    out_shape=jax.ShapeDtypeStruct((N, D), jnp.float32),
)


def kernel(feature, edge_index, W, b, gamma, beta):
    src = edge_index[0].astype(jnp.int32)
    dst = edge_index[1].astype(jnp.int32)
    pad = EPAD - E
    src_t = jnp.concatenate([src, jnp.zeros((pad,), jnp.int32)]).reshape(NW, K, B)
    dst_t = jnp.concatenate([dst, jnp.full((pad,), NACC - 1, jnp.int32)]
                            ).reshape(NW, K, B)
    idx_t = jnp.stack([src_t, dst_t], axis=2)
    ones_g = jnp.ones((B, GW), jnp.float32)
    zeros_g = jnp.zeros((NACC, GW), jnp.float32)
    zeros_d = jnp.zeros((NACC, D), jnp.float32)

    degp = _sc_deg(dst_t, ones_g, zeros_g)
    y = _tc_prep(feature, W, degp)
    accp = _sc_msg(y, idx_t, zeros_d)
    return _tc_fin(accp, degp, y, b.reshape(1, D), gamma.reshape(1, D),
                   beta.reshape(1, D))

# --- scband reference (transcript-rebuilt; emitter-appended) ---
"""Pipeline reference for scband-graph-encoder-70712341561346 (READ-ONLY COPY).

The authoritative reference and input builder live on the scoring server;
editing this copy changes nothing except your own understanding.
"""

import jax, jax.numpy as jnp
import numpy as np

N_NODES = 10000
N_EDGES = 320000
DIM = 128
EPS = 1e-5

def setup_inputs(seed: int = 0) -> dict:
    key = jax.random.key(seed)
    k1, k2, k3, k4 = jax.random.split(key, 4)
    feature = jax.random.normal(k1, (N_NODES, DIM), dtype=jnp.float32)
    edge_index = jax.random.randint(k2, (2, N_EDGES), 0, N_NODES, dtype=jnp.int64)
    # GCNConv linear weight (glorot-like scale) and bias
    W = jax.random.normal(k3, (DIM, DIM), dtype=jnp.float32) * (1.0 / np.sqrt(DIM))
    b = jnp.zeros((DIM,), dtype=jnp.float32)
    # BatchNorm1d affine params
    gamma = jnp.ones((DIM,), dtype=jnp.float32)
    beta = jnp.zeros((DIM,), dtype=jnp.float32)
    return {"feature": feature, "edge_index": edge_index, "W": W, "b": b, "gamma": gamma, "beta": beta}

def _gcn_conv(x, edge_index, W, b):
    # PyG GCNConv: add self-loops, symmetric normalization, aggregate, linear
    n = x.shape[0]
    x = x @ W
    loop = jnp.arange(n, dtype=edge_index.dtype)
    src = jnp.concatenate([edge_index[0], loop])
    dst = jnp.concatenate([edge_index[1], loop])
    deg = jnp.zeros((n,), dtype=x.dtype).at[dst].add(1.0)
    deg_inv_sqrt = jnp.where(deg > 0, jax.lax.rsqrt(jnp.maximum(deg, 1e-12)), 0.0)
    norm = deg_inv_sqrt[src] * deg_inv_sqrt[dst]
    msg = x[src] * norm[:, None]
    out = jax.ops.segment_sum(msg, dst, num_segments=n)
    return out + b

def _batch_norm(x, gamma, beta):
    # BatchNorm1d in training mode: biased batch statistics
    mean = jnp.mean(x, axis=0)
    var = jnp.mean((x - mean) ** 2, axis=0)
    x_hat = (x - mean) * jax.lax.rsqrt(var + EPS)
    return x_hat * gamma + beta

def reference(feature, edge_index, W, b, gamma, beta):
    x = _gcn_conv(feature, edge_index, W, b)
    x = _batch_norm(x, gamma, beta)
    return x

if __name__ == "__main__":
    import jax
    _d = setup_inputs()
    print(jax.jit(kernel)(*tuple(_d.values())))

</pallas_src>

<mosaic_0001>
#map = affine_map<(d0, d1) -> (0, 0, 0)>
#map1 = affine_map<(d0, d1) -> (0, 0)>
module attributes {stable_mosaic.version = 14 : i64} {
  func.func @_sc_deg(%arg0: i32, %arg1: i32, %arg2: memref<32x80x128xi32, #tpu.memory_space<hbm>>, %arg3: memref<128x128xf32, #tpu.memory_space<hbm>>, %arg4: memref<10240x128xf32, #tpu.memory_space<hbm>>, %arg5: memref<2x10240x128xf32, #tpu.memory_space<hbm>>, %arg6: memref<80x128xi32, #tpu.memory_space<vmem>>, %arg7: memref<128x128xf32, #tpu.memory_space<vmem>>, %arg8: memref<10240x128xf32, #tpu.memory_space<vmem_shared>>) attributes {dimension_semantics = [#tpu.dimension_semantics<core_parallel>, #tpu.dimension_semantics<subcore_parallel>], iteration_bounds = array<i64: 2, 16>, scalar_prefetch = 0 : i64, scratch_operands = 3 : i64, tpu.core_type = #tpu.core_type<sc_vector_subcore>, window_params = [{transform_indices = #map}, {transform_indices = #map1}, {transform_indices = #map1}, {transform_indices = #map}]} {
    %mul3A = arith.constant 16 : i32
    %mul3A_0 = arith.muli %arg0, %mul3A : i32
    %add3A = arith.addi %mul3A_0, %arg1 : i32
    %mul3A_1 = arith.constant 640 : i32
    %mul3A_2 = arith.muli %arg1, %mul3A_1 : i32
    %mul3A_3 = arith.constant 640 : i32
    %mul3A_4 = arith.muli %arg1, %mul3A_3 : i32
    "tpu.region"() ({
      %run_scoped3A = tpu.sem_alloc : memref<!tpu.dma_semaphore, #tpu.memory_space<semaphore_mem>>
      %dma_start3A = arith.constant 0 : i32
      %dma_start3A_15 = tpu.memref_slice %arg8[%mul3A_4, %dma_start3A] : memref<10240x128xf32, #tpu.memory_space<vmem_shared>> -> memref<640x128xf32, #tpu.memory_space<vmem_shared>>
      %dma_start3A_16 = arith.constant 0 : i32
      %dma_start3A_17 = tpu.memref_slice %arg4[%mul3A_2, %dma_start3A_16] : memref<10240x128xf32, #tpu.memory_space<hbm>> -> memref<640x128xf32, #tpu.memory_space<hbm>>
      tpu.enqueue_dma source(%dma_start3A_17 : memref<640x128xf32, #tpu.memory_space<hbm>>) target(%dma_start3A_15 : memref<640x128xf32, #tpu.memory_space<vmem_shared>>) target_semaphore(%run_scoped3A : memref<!tpu.dma_semaphore, #tpu.memory_space<semaphore_mem>>)
      %dma_wait3A = arith.constant 0 : i32
      %dma_wait3A_18 = tpu.memref_slice %arg8[%mul3A_4, %dma_wait3A] : memref<10240x128xf32, #tpu.memory_space<vmem_shared>> -> memref<640x128xf32, #tpu.memory_space<vmem_shared>>
      %dma_wait3A_19 = arith.constant 0 : i32
      %dma_wait3A_20 = tpu.memref_slice %arg4[%mul3A_2, %dma_wait3A_19] : memref<10240x128xf32, #tpu.memory_space<hbm>> -> memref<640x128xf32, #tpu.memory_space<hbm>>
      tpu.wait_dma2 semaphore(%run_scoped3A : memref<!tpu.dma_semaphore, #tpu.memory_space<semaphore_mem>>) src(%dma_wait3A_20 : memref<640x128xf32, #tpu.memory_space<hbm>>) dst(%dma_wait3A_18 : memref<640x128xf32, #tpu.memory_space<vmem_shared>>)
      tpu.yield
    }) : () -> ()
    "tpu.region"() ({
      %run_scoped3A = tpu.sem_alloc : memref<!tpu.dma_semaphore, #tpu.memory_space<semaphore_mem>>
      tpu.enqueue_dma source(%arg3 : memref<128x128xf32, #tpu.memory_space<hbm>>) target(%arg7 : memref<128x128xf32, #tpu.memory_space<vmem>>) target_semaphore(%run_scoped3A : memref<!tpu.dma_semaphore, #tpu.memory_space<semaphore_mem>>)
      tpu.wait_dma2 semaphore(%run_scoped3A : memref<!tpu.dma_semaphore, #tpu.memory_space<semaphore_mem>>) src(%arg3 : memref<128x128xf32, #tpu.memory_space<hbm>>) dst(%arg7 : memref<128x128xf32, #tpu.memory_space<vmem>>)
      tpu.yield
    }) : () -> ()
    "tpu.region"() ({
      %run_scoped3A = tpu.sem_alloc : memref<!tpu.dma_semaphore, #tpu.memory_space<semaphore_mem>>
      %dma_start3A = arith.constant 0 : i32
      %dma_start3A_15 = arith.constant 0 : i32
      %dma_start3A_16 = tpu.memref_slice %arg2[%add3A, %dma_start3A, %dma_start3A_15] : memref<32x80x128xi32, #tpu.memory_space<hbm>> -> memref<1x80x128xi32, #tpu.memory_space<hbm>>
      %dma_start3A_17 = tpu.memref_squeeze %dma_start3A_16 : memref<1x80x128xi32, #tpu.memory_space<hbm>> -> memref<80x128xi32, #tpu.memory_space<hbm>>
      %dma_start3A_18 = arith.constant 0 : i32
      %dma_start3A_19 = arith.constant 0 : i32
      %dma_start3A_20 = tpu.memref_slice %arg2[%add3A, %dma_start3A_18, %dma_start3A_19] : memref<32x80x128xi32, #tpu.memory_space<hbm>> -> memref<1x80x128xi32, #tpu.memory_space<hbm>>
      %dma_start3A_21 = tpu.memref_squeeze %dma_start3A_20 : memref<1x80x128xi32, #tpu.memory_space<hbm>> -> memref<80x128xi32, #tpu.memory_space<hbm>>
      tpu.enqueue_dma source(%dma_start3A_21 : memref<80x128xi32, #tpu.memory_space<hbm>>) target(%arg6 : memref<80x128xi32, #tpu.memory_space<vmem>>) target_semaphore(%run_scoped3A : memref<!tpu.dma_semaphore, #tpu.memory_space<semaphore_mem>>)
      %dma_wait3A = arith.constant 0 : i32
      %dma_wait3A_22 = arith.constant 0 : i32
      %dma_wait3A_23 = tpu.memref_slice %arg2[%add3A, %dma_wait3A, %dma_wait3A_22] : memref<32x80x128xi32, #tpu.memory_space<hbm>> -> memref<1x80x128xi32, #tpu.memory_space<hbm>>
      %dma_wait3A_24 = tpu.memref_squeeze %dma_wait3A_23 : memref<1x80x128xi32, #tpu.memory_space<hbm>> -> memref<80x128xi32, #tpu.memory_space<hbm>>
      %dma_wait3A_25 = arith.constant 0 : i32
      %dma_wait3A_26 = arith.constant 0 : i32
      %dma_wait3A_27 = tpu.memref_slice %arg2[%add3A, %dma_wait3A_25, %dma_wait3A_26] : memref<32x80x128xi32, #tpu.memory_space<hbm>> -> memref<1x80x128xi32, #tpu.memory_space<hbm>>
      %dma_wait3A_28 = tpu.memref_squeeze %dma_wait3A_27 : memref<1x80x128xi32, #tpu.memory_space<hbm>> -> memref<80x128xi32, #tpu.memory_space<hbm>>
      tpu.wait_dma2 semaphore(%run_scoped3A : memref<!tpu.dma_semaphore, #tpu.memory_space<semaphore_mem>>) src(%dma_wait3A_28 : memref<80x128xi32, #tpu.memory_space<hbm>>) dst(%arg6 : memref<80x128xi32, #tpu.memory_space<vmem>>)
      tpu.yield
    }) : () -> ()
    %barrier3A = arith.constant 0 : index
    tpu.barrier barrier_id(%barrier3A)
    %scan3A = arith.constant 0 : i32
    %scan3A_5 = arith.constant 0 : i32
    %scan3A_6 = arith.constant 80 : i32
    %scan3A_7 = arith.addi %scan3A_5, %scan3A_6 : i32
    %scan3A_8 = arith.constant 1 : i32
    scf.for %scan3A_15 = %scan3A_5 to %scan3A_7 step %scan3A_8  : i32 {
      "tpu.region"() ({
        %run_scoped3A = tpu.sem_alloc : memref<!tpu.dma_semaphore, #tpu.memory_space<semaphore_mem>>
        %dma_start3A = arith.constant 0 : i32
        %dma_start3A_16 = tpu.memref_slice %arg6[%scan3A_15, %dma_start3A] : memref<80x128xi32, #tpu.memory_space<vmem>> -> memref<1x128xi32, #tpu.memory_space<vmem>>
        %dma_start3A_17 = tpu.memref_squeeze %dma_start3A_16 : memref<1x128xi32, #tpu.memory_space<vmem>> -> memref<128xi32, #tpu.memory_space<vmem>>
        %dma_start3A_18 = arith.constant 0 : i32
        %dma_start3A_19 = arith.constant 0 : i32
        %dma_start3A_20 = tpu.memref_slice %arg8[%dma_start3A_18, %dma_start3A_19] : memref<10240x128xf32, #tpu.memory_space<vmem_shared>> -> memref<10240x128xf32, #tpu.memory_space<vmem_shared>>
        tpu.enqueue_indirect_dma source(%arg7 : memref<128x128xf32, #tpu.memory_space<vmem>>) target(%dma_start3A_20 : memref<10240x128xf32, #tpu.memory_space<vmem_shared>>) offsets(%dma_start3A_17 : memref<128xi32, #tpu.memory_space<vmem>>) semaphore(%run_scoped3A : memref<!tpu.dma_semaphore, #tpu.memory_space<semaphore_mem>>) {add = true}
        %dma_wait3A = arith.constant 0 : i32
        %dma_wait3A_21 = tpu.memref_slice %arg6[%scan3A_15, %dma_wait3A] : memref<80x128xi32, #tpu.memory_space<vmem>> -> memref<1x128xi32, #tpu.memory_space<vmem>>
        %dma_wait3A_22 = tpu.memref_squeeze %dma_wait3A_21 : memref<1x128xi32, #tpu.memory_space<vmem>> -> memref<128xi32, #tpu.memory_space<vmem>>
        %dma_wait3A_23 = arith.constant 0 : i32
        %dma_wait3A_24 = arith.constant 0 : i32
        %dma_wait3A_25 = tpu.memref_slice %arg8[%dma_wait3A_23, %dma_wait3A_24] : memref<10240x128xf32, #tpu.memory_space<vmem_shared>> -> memref<10240x128xf32, #tpu.memory_space<vmem_shared>>
        tpu.wait_indirect_dma semaphore(%run_scoped3A : memref<!tpu.dma_semaphore, #tpu.memory_space<semaphore_mem>>) src(%arg7 : memref<128x128xf32, #tpu.memory_space<vmem>>) dst(%dma_wait3A_25 : memref<10240x128xf32, #tpu.memory_space<vmem_shared>>)
        tpu.yield
      }) : () -> ()
    }
    %scan3A_9 = arith.constant 80 : i32
    %barrier3A_10 = arith.constant 0 : index
    tpu.barrier barrier_id(%barrier3A_10)
    %mul3A_11 = arith.constant 640 : i32
    %mul3A_12 = arith.muli %arg1, %mul3A_11 : i32
    %mul3A_13 = arith.constant 640 : i32
    %mul3A_14 = arith.muli %arg1, %mul3A_13 : i32
    "tpu.region"() ({
      %run_scoped3A = tpu.sem_alloc : memref<!tpu.dma_semaphore, #tpu.memory_space<semaphore_mem>>
      %dma_start3A = arith.constant 0 : i32
      %dma_start3A_15 = tpu.memref_slice %arg5[%arg0, %mul3A_14, %dma_start3A] : memref<2x10240x128xf32, #tpu.memory_space<hbm>> -> memref<1x640x128xf32, #tpu.memory_space<hbm>>
      %dma_start3A_16 = tpu.memref_squeeze %dma_start3A_15 : memref<1x640x128xf32, #tpu.memory_space<hbm>> -> memref<640x128xf32, #tpu.memory_space<hbm>>
      %dma_start3A_17 = arith.constant 0 : i32
      %dma_start3A_18 = tpu.memref_slice %arg8[%mul3A_12, %dma_start3A_17] : memref<10240x128xf32, #tpu.memory_space<vmem_shared>> -> memref<640x128xf32, #tpu.memory_space<vmem_shared>>
      tpu.enqueue_dma source(%dma_start3A_18 : memref<640x128xf32, #tpu.memory_space<vmem_shared>>) target(%dma_start3A_16 : memref<640x128xf32, #tpu.memory_space<hbm>>) target_semaphore(%run_scoped3A : memref<!tpu.dma_semaphore, #tpu.memory_space<semaphore_mem>>)
      %dma_wait3A = arith.constant 0 : i32
      %dma_wait3A_19 = tpu.memref_slice %arg5[%arg0, %mul3A_14, %dma_wait3A] : memref<2x10240x128xf32, #tpu.memory_space<hbm>> -> memref<1x640x128xf32, #tpu.memory_space<hbm>>
      %dma_wait3A_20 = tpu.memref_squeeze %dma_wait3A_19 : memref<1x640x128xf32, #tpu.memory_space<hbm>> -> memref<640x128xf32, #tpu.memory_space<hbm>>
      %dma_wait3A_21 = arith.constant 0 : i32
      %dma_wait3A_22 = tpu.memref_slice %arg8[%mul3A_12, %dma_wait3A_21] : memref<10240x128xf32, #tpu.memory_space<vmem_shared>> -> memref<640x128xf32, #tpu.memory_space<vmem_shared>>
      tpu.wait_dma2 semaphore(%run_scoped3A : memref<!tpu.dma_semaphore, #tpu.memory_space<semaphore_mem>>) src(%dma_wait3A_22 : memref<640x128xf32, #tpu.memory_space<vmem_shared>>) dst(%dma_wait3A_20 : memref<640x128xf32, #tpu.memory_space<hbm>>)
      tpu.yield
    }) : () -> ()
    return
  }
}

#map = affine_map<(d0, d1) -> (0, 0)>
#map1 = affine_map<(d0, d1) -> (0, 0, 0, 0)>
#map2 = affine_map<(d0, d1) -> (0, 0, 0)>
module attributes {stable_mosaic.version = 14 : i64} {
  func.func @_sc_msg(%arg0: i32, %arg1: i32, %arg2: memref<10000x128xf32, #tpu.memory_space<hbm>>, %arg3: memref<32x80x2x128xi32, #tpu.memory_space<hbm>>, %arg4: memref<10240x128xf32, #tpu.memory_space<hbm>>, %arg5: memref<2x10240x128xf32, #tpu.memory_space<hbm>>, %arg6: memref<40x2x128xi32, #tpu.memory_space<vmem>>, %arg7: memref<128x128xf32, #tpu.memory_space<vmem>>, %arg8: memref<128x128xf32, #tpu.memory_space<vmem>>, %arg9: memref<10240x128xf32, #tpu.memory_space<vmem_shared>>, %arg10: memref<!tpu.dma_semaphore, #tpu.memory_space<semaphore_mem>>, %arg11: memref<!tpu.dma_semaphore, #tpu.memory_space<semaphore_mem>>) attributes {dimension_semantics = [#tpu.dimension_semantics<core_parallel>, #tpu.dimension_semantics<subcore_parallel>], iteration_bounds = array<i64: 2, 16>, scalar_prefetch = 0 : i64, scratch_operands = 6 : i64, tpu.core_type = #tpu.core_type<sc_vector_subcore>, window_params = [{transform_indices = #map}, {transform_indices = #map1}, {transform_indices = #map}, {transform_indices = #map2}]} {
    %mul3A = arith.constant 16 : i32
    %mul3A_0 = arith.muli %arg0, %mul3A : i32
    %add3A = arith.addi %mul3A_0, %arg1 : i32
    %mul3A_1 = arith.constant 640 : i32
    %mul3A_2 = arith.muli %arg1, %mul3A_1 : i32
    %mul3A_3 = arith.constant 640 : i32
    %mul3A_4 = arith.muli %arg1, %mul3A_3 : i32
    "tpu.region"() ({
      %run_scoped3A = tpu.sem_alloc : memref<!tpu.dma_semaphore, #tpu.memory_space<semaphore_mem>>
      %dma_start3A = arith.constant 0 : i32
      %dma_start3A_15 = tpu.memref_slice %arg9[%mul3A_4, %dma_start3A] : memref<10240x128xf32, #tpu.memory_space<vmem_shared>> -> memref<640x128xf32, #tpu.memory_space<vmem_shared>>
      %dma_start3A_16 = arith.constant 0 : i32
      %dma_start3A_17 = tpu.memref_slice %arg4[%mul3A_2, %dma_start3A_16] : memref<10240x128xf32, #tpu.memory_space<hbm>> -> memref<640x128xf32, #tpu.memory_space<hbm>>
      tpu.enqueue_dma source(%dma_start3A_17 : memref<640x128xf32, #tpu.memory_space<hbm>>) target(%dma_start3A_15 : memref<640x128xf32, #tpu.memory_space<vmem_shared>>) target_semaphore(%run_scoped3A : memref<!tpu.dma_semaphore, #tpu.memory_space<semaphore_mem>>)
      %dma_wait3A = arith.constant 0 : i32
      %dma_wait3A_18 = tpu.memref_slice %arg9[%mul3A_4, %dma_wait3A] : memref<10240x128xf32, #tpu.memory_space<vmem_shared>> -> memref<640x128xf32, #tpu.memory_space<vmem_shared>>
      %dma_wait3A_19 = arith.constant 0 : i32
      %dma_wait3A_20 = tpu.memref_slice %arg4[%mul3A_2, %dma_wait3A_19] : memref<10240x128xf32, #tpu.memory_space<hbm>> -> memref<640x128xf32, #tpu.memory_space<hbm>>
      tpu.wait_dma2 semaphore(%run_scoped3A : memref<!tpu.dma_semaphore, #tpu.memory_space<semaphore_mem>>) src(%dma_wait3A_20 : memref<640x128xf32, #tpu.memory_space<hbm>>) dst(%dma_wait3A_18 : memref<640x128xf32, #tpu.memory_space<vmem_shared>>)
      tpu.yield
    }) : () -> ()
    %barrier3A = arith.constant 0 : index
    tpu.barrier barrier_id(%barrier3A)
    %scan3A = arith.constant 0 : i32
    %scan3A_5 = arith.constant 0 : i32
    %scan3A_6 = arith.constant 2 : i32
    %scan3A_7 = arith.addi %scan3A_5, %scan3A_6 : i32
    %scan3A_8 = arith.constant 1 : i32
    scf.for %scan3A_15 = %scan3A_5 to %scan3A_7 step %scan3A_8  : i32 {
      %mul3A_16 = arith.constant 40 : i32
      %mul3A_17 = arith.muli %scan3A_15, %mul3A_16 : i32
      "tpu.region"() ({
        %run_scoped3A = tpu.sem_alloc : memref<!tpu.dma_semaphore, #tpu.memory_space<semaphore_mem>>
        %dma_start3A_39 = arith.constant 0 : i32
        %dma_start3A_40 = arith.constant 0 : i32
        %dma_start3A_41 = tpu.memref_slice %arg3[%add3A, %mul3A_17, %dma_start3A_39, %dma_start3A_40] : memref<32x80x2x128xi32, #tpu.memory_space<hbm>> -> memref<1x40x2x128xi32, #tpu.memory_space<hbm>>
        %dma_start3A_42 = tpu.memref_squeeze %dma_start3A_41 : memref<1x40x2x128xi32, #tpu.memory_space<hbm>> -> memref<40x2x128xi32, #tpu.memory_space<hbm>>
        %dma_start3A_43 = arith.constant 0 : i32
        %dma_start3A_44 = arith.constant 0 : i32
        %dma_start3A_45 = tpu.memref_slice %arg3[%add3A, %mul3A_17, %dma_start3A_43, %dma_start3A_44] : memref<32x80x2x128xi32, #tpu.memory_space<hbm>> -> memref<1x40x2x128xi32, #tpu.memory_space<hbm>>
        %dma_start3A_46 = tpu.memref_squeeze %dma_start3A_45 : memref<1x40x2x128xi32, #tpu.memory_space<hbm>> -> memref<40x2x128xi32, #tpu.memory_space<hbm>>
        tpu.enqueue_dma source(%dma_start3A_46 : memref<40x2x128xi32, #tpu.memory_space<hbm>>) target(%arg6 : memref<40x2x128xi32, #tpu.memory_space<vmem>>) target_semaphore(%run_scoped3A : memref<!tpu.dma_semaphore, #tpu.memory_space<semaphore_mem>>)
        %dma_wait3A = arith.constant 0 : i32
        %dma_wait3A_47 = arith.constant 0 : i32
        %dma_wait3A_48 = tpu.memref_slice %arg3[%add3A, %mul3A_17, %dma_wait3A, %dma_wait3A_47] : memref<32x80x2x128xi32, #tpu.memory_space<hbm>> -> memref<1x40x2x128xi32, #tpu.memory_space<hbm>>
        %dma_wait3A_49 = tpu.memref_squeeze %dma_wait3A_48 : memref<1x40x2x128xi32, #tpu.memory_space<hbm>> -> memref<40x2x128xi32, #tpu.memory_space<hbm>>
        %dma_wait3A_50 = arith.constant 0 : i32
        %dma_wait3A_51 = arith.constant 0 : i32
        %dma_wait3A_52 = tpu.memref_slice %arg3[%add3A, %mul3A_17, %dma_wait3A_50, %dma_wait3A_51] : memref<32x80x2x128xi32, #tpu.memory_space<hbm>> -> memref<1x40x2x128xi32, #tpu.memory_space<hbm>>
        %dma_wait3A_53 = tpu.memref_squeeze %dma_wait3A_52 : memref<1x40x2x128xi32, #tpu.memory_space<hbm>> -> memref<40x2x128xi32, #tpu.memory_space<hbm>>
        tpu.wait_dma2 semaphore(%run_scoped3A : memref<!tpu.dma_semaphore, #tpu.memory_space<semaphore_mem>>) src(%dma_wait3A_53 : memref<40x2x128xi32, #tpu.memory_space<hbm>>) dst(%arg6 : memref<40x2x128xi32, #tpu.memory_space<vmem>>)
        tpu.yield
      }) : () -> ()
      %dma_start3A = arith.constant 0 : i32
      %dma_start3A_18 = arith.constant 0 : i32
      %dma_start3A_19 = arith.constant 0 : i32
      %dma_start3A_20 = tpu.memref_slice %arg6[%dma_start3A, %dma_start3A_18, %dma_start3A_19] : memref<40x2x128xi32, #tpu.memory_space<vmem>> -> memref<1x1x128xi32, #tpu.memory_space<vmem>>
      %dma_start3A_21 = tpu.memref_squeeze %dma_start3A_20 : memref<1x1x128xi32, #tpu.memory_space<vmem>> -> memref<128xi32, #tpu.memory_space<vmem>>
      %dma_start3A_22 = arith.constant 0 : i32
      %dma_start3A_23 = arith.constant 0 : i32
      %dma_start3A_24 = tpu.memref_slice %arg2[%dma_start3A_22, %dma_start3A_23] : memref<10000x128xf32, #tpu.memory_space<hbm>> -> memref<10000x128xf32, #tpu.memory_space<hbm>>
      tpu.enqueue_indirect_dma source(%dma_start3A_24 : memref<10000x128xf32, #tpu.memory_space<hbm>>) target(%arg7 : memref<128x128xf32, #tpu.memory_space<vmem>>) offsets(%dma_start3A_21 : memref<128xi32, #tpu.memory_space<vmem>>) semaphore(%arg10 : memref<!tpu.dma_semaphore, #tpu.memory_space<semaphore_mem>>)
      %dma_start3A_25 = arith.constant 1 : i32
      %dma_start3A_26 = arith.constant 0 : i32
      %dma_start3A_27 = arith.constant 0 : i32
      %dma_start3A_28 = tpu.memref_slice %arg6[%dma_start3A_25, %dma_start3A_26, %dma_start3A_27] : memref<40x2x128xi32, #tpu.memory_space<vmem>> -> memref<1x1x128xi32, #tpu.memory_space<vmem>>
      %dma_start3A_29 = tpu.memref_squeeze %dma_start3A_28 : memref<1x1x128xi32, #tpu.memory_space<vmem>> -> memref<128xi32, #tpu.memory_space<vmem>>
      %dma_start3A_30 = arith.constant 0 : i32
      %dma_start3A_31 = arith.constant 0 : i32
      %dma_start3A_32 = tpu.memref_slice %arg2[%dma_start3A_30, %dma_start3A_31] : memref<10000x128xf32, #tpu.memory_space<hbm>> -> memref<10000x128xf32, #tpu.memory_space<hbm>>
      tpu.enqueue_indirect_dma source(%dma_start3A_32 : memref<10000x128xf32, #tpu.memory_space<hbm>>) target(%arg8 : memref<128x128xf32, #tpu.memory_space<vmem>>) offsets(%dma_start3A_29 : memref<128xi32, #tpu.memory_space<vmem>>) semaphore(%arg11 : memref<!tpu.dma_semaphore, #tpu.memory_space<semaphore_mem>>)
      %scan3A_33 = arith.constant 0 : i32
      %scan3A_34 = arith.constant 0 : i32
      %scan3A_35 = arith.constant 20 : i32
      %scan3A_36 = arith.addi %scan3A_34, %scan3A_35 : i32
      %scan3A_37 = arith.constant 1 : i32
      scf.for %scan3A_39 = %scan3A_34 to %scan3A_36 step %scan3A_37  : i32 {
        %mul3A_40 = arith.constant 2 : i32
        %mul3A_41 = arith.muli %scan3A_39, %mul3A_40 : i32
        %add3A_42 = arith.constant 0 : i32
        %add3A_43 = arith.addi %mul3A_41, %add3A_42 : i32
        %dma_wait3A = arith.constant 0 : i32
        %dma_wait3A_44 = arith.constant 0 : i32
        %dma_wait3A_45 = tpu.memref_slice %arg6[%add3A_43, %dma_wait3A, %dma_wait3A_44] : memref<40x2x128xi32, #tpu.memory_space<vmem>> -> memref<1x1x128xi32, #tpu.memory_space<vmem>>
        %dma_wait3A_46 = tpu.memref_squeeze %dma_wait3A_45 : memref<1x1x128xi32, #tpu.memory_space<vmem>> -> memref<128xi32, #tpu.memory_space<vmem>>
        %dma_wait3A_47 = arith.constant 0 : i32
        %dma_wait3A_48 = arith.constant 0 : i32
        %dma_wait3A_49 = tpu.memref_slice %arg2[%dma_wait3A_47, %dma_wait3A_48] : memref<10000x128xf32, #tpu.memory_space<hbm>> -> memref<10000x128xf32, #tpu.memory_space<hbm>>
        tpu.wait_indirect_dma semaphore(%arg10 : memref<!tpu.dma_semaphore, #tpu.memory_space<semaphore_mem>>) src(%dma_wait3A_49 : memref<10000x128xf32, #tpu.memory_space<hbm>>) dst(%arg7 : memref<128x128xf32, #tpu.memory_space<vmem>>)
        %run_scoped3A = arith.constant 1 : i32
        "tpu.region"() ({
          %run_scoped3A_73 = tpu.sem_alloc : memref<!tpu.dma_semaphore, #tpu.memory_space<semaphore_mem>>
          %dma_start3A_74 = arith.constant 0 : i32
          %dma_start3A_75 = tpu.memref_slice %arg6[%add3A_43, %run_scoped3A, %dma_start3A_74] : memref<40x2x128xi32, #tpu.memory_space<vmem>> -> memref<1x1x128xi32, #tpu.memory_space<vmem>>
          %dma_start3A_76 = tpu.memref_squeeze %dma_start3A_75 : memref<1x1x128xi32, #tpu.memory_space<vmem>> -> memref<128xi32, #tpu.memory_space<vmem>>
          %dma_start3A_77 = arith.constant 0 : i32
          %dma_start3A_78 = arith.constant 0 : i32
          %dma_start3A_79 = tpu.memref_slice %arg9[%dma_start3A_77, %dma_start3A_78] : memref<10240x128xf32, #tpu.memory_space<vmem_shared>> -> memref<10240x128xf32, #tpu.memory_space<vmem_shared>>
          tpu.enqueue_indirect_dma source(%arg7 : memref<128x128xf32, #tpu.memory_space<vmem>>) target(%dma_start3A_79 : memref<10240x128xf32, #tpu.memory_space<vmem_shared>>) offsets(%dma_start3A_76 : memref<128xi32, #tpu.memory_space<vmem>>) semaphore(%run_scoped3A_73 : memref<!tpu.dma_semaphore, #tpu.memory_space<semaphore_mem>>) {add = true}
          %dma_wait3A_80 = arith.constant 0 : i32
          %dma_wait3A_81 = tpu.memref_slice %arg6[%add3A_43, %run_scoped3A, %dma_wait3A_80] : memref<40x2x128xi32, #tpu.memory_space<vmem>> -> memref<1x1x128xi32, #tpu.memory_space<vmem>>
          %dma_wait3A_82 = tpu.memref_squeeze %dma_wait3A_81 : memref<1x1x128xi32, #tpu.memory_space<vmem>> -> memref<128xi32, #tpu.memory_space<vmem>>
          %dma_wait3A_83 = arith.constant 0 : i32
          %dma_wait3A_84 = arith.constant 0 : i32
          %dma_wait3A_85 = tpu.memref_slice %arg9[%dma_wait3A_83, %dma_wait3A_84] : memref<10240x128xf32, #tpu.memory_space<vmem_shared>> -> memref<10240x128xf32, #tpu.memory_space<vmem_shared>>
          tpu.wait_indirect_dma semaphore(%run_scoped3A_73 : memref<!tpu.dma_semaphore, #tpu.memory_space<semaphore_mem>>) src(%arg7 : memref<128x128xf32, #tpu.memory_space<vmem>>) dst(%dma_wait3A_85 : memref<10240x128xf32, #tpu.memory_space<vmem_shared>>)
          tpu.yield
        }) : () -> ()
        %add3A_50 = arith.constant 2 : i32
        %add3A_51 = arith.addi %add3A_43, %add3A_50 : i32
        %lt3A = arith.constant 40 : i32
        %lt3A_52 = arith.cmpi slt, %add3A_51, %lt3A : i32
        %convert_element_type3A = arith.extui %lt3A_52 : i1 to i32
        %cond3A = arith.constant 0 : i32
        %cond3A_53 = arith.cmpi ne, %convert_element_type3A, %cond3A : i32
        scf.if %cond3A_53 {
          %add3A_73 = arith.constant 2 : i32
          %add3A_74 = arith.addi %add3A_43, %add3A_73 : i32
          %dma_start3A_75 = arith.constant 0 : i32
          %dma_start3A_76 = arith.constant 0 : i32
          %dma_start3A_77 = tpu.memref_slice %arg6[%add3A_74, %dma_start3A_75, %dma_start3A_76] : memref<40x2x128xi32, #tpu.memory_space<vmem>> -> memref<1x1x128xi32, #tpu.memory_space<vmem>>
          %dma_start3A_78 = tpu.memref_squeeze %dma_start3A_77 : memref<1x1x128xi32, #tpu.memory_space<vmem>> -> memref<128xi32, #tpu.memory_space<vmem>>
          %dma_start3A_79 = arith.constant 0 : i32
          %dma_start3A_80 = arith.constant 0 : i32
          %dma_start3A_81 = tpu.memref_slice %arg2[%dma_start3A_79, %dma_start3A_80] : memref<10000x128xf32, #tpu.memory_space<hbm>> -> memref<10000x128xf32, #tpu.memory_space<hbm>>
          tpu.enqueue_indirect_dma source(%dma_start3A_81 : memref<10000x128xf32, #tpu.memory_space<hbm>>) target(%arg7 : memref<128x128xf32, #tpu.memory_space<vmem>>) offsets(%dma_start3A_78 : memref<128xi32, #tpu.memory_space<vmem>>) semaphore(%arg10 : memref<!tpu.dma_semaphore, #tpu.memory_space<semaphore_mem>>)
        } else {
        }
        %mul3A_54 = arith.constant 2 : i32
        %mul3A_55 = arith.muli %scan3A_39, %mul3A_54 : i32
        %add3A_56 = arith.constant 1 : i32
        %add3A_57 = arith.addi %mul3A_55, %add3A_56 : i32
        %dma_wait3A_58 = arith.constant 0 : i32
        %dma_wait3A_59 = arith.constant 0 : i32
        %dma_wait3A_60 = tpu.memref_slice %arg6[%add3A_57, %dma_wait3A_58, %dma_wait3A_59] : memref<40x2x128xi32, #tpu.memory_space<vmem>> -> memref<1x1x128xi32, #tpu.memory_space<vmem>>
        %dma_wait3A_61 = tpu.memref_squeeze %dma_wait3A_60 : memref<1x1x128xi32, #tpu.memory_space<vmem>> -> memref<128xi32, #tpu.memory_space<vmem>>
        %dma_wait3A_62 = arith.constant 0 : i32
        %dma_wait3A_63 = arith.constant 0 : i32
        %dma_wait3A_64 = tpu.memref_slice %arg2[%dma_wait3A_62, %dma_wait3A_63] : memref<10000x128xf32, #tpu.memory_space<hbm>> -> memref<10000x128xf32, #tpu.memory_space<hbm>>
        tpu.wait_indirect_dma semaphore(%arg11 : memref<!tpu.dma_semaphore, #tpu.memory_space<semaphore_mem>>) src(%dma_wait3A_64 : memref<10000x128xf32, #tpu.memory_space<hbm>>) dst(%arg8 : memref<128x128xf32, #tpu.memory_space<vmem>>)
        %run_scoped3A_65 = arith.constant 1 : i32
        "tpu.region"() ({
          %run_scoped3A_73 = tpu.sem_alloc : memref<!tpu.dma_semaphore, #tpu.memory_space<semaphore_mem>>
          %dma_start3A_74 = arith.constant 0 : i32
          %dma_start3A_75 = tpu.memref_slice %arg6[%add3A_57, %run_scoped3A_65, %dma_start3A_74] : memref<40x2x128xi32, #tpu.memory_space<vmem>> -> memref<1x1x128xi32, #tpu.memory_space<vmem>>
          %dma_start3A_76 = tpu.memref_squeeze %dma_start3A_75 : memref<1x1x128xi32, #tpu.memory_space<vmem>> -> memref<128xi32, #tpu.memory_space<vmem>>
          %dma_start3A_77 = arith.constant 0 : i32
          %dma_start3A_78 = arith.constant 0 : i32
          %dma_start3A_79 = tpu.memref_slice %arg9[%dma_start3A_77, %dma_start3A_78] : memref<10240x128xf32, #tpu.memory_space<vmem_shared>> -> memref<10240x128xf32, #tpu.memory_space<vmem_shared>>
          tpu.enqueue_indirect_dma source(%arg8 : memref<128x128xf32, #tpu.memory_space<vmem>>) target(%dma_start3A_79 : memref<10240x128xf32, #tpu.memory_space<vmem_shared>>) offsets(%dma_start3A_76 : memref<128xi32, #tpu.memory_space<vmem>>) semaphore(%run_scoped3A_73 : memref<!tpu.dma_semaphore, #tpu.memory_space<semaphore_mem>>) {add = true}
          %dma_wait3A_80 = arith.constant 0 : i32
          %dma_wait3A_81 = tpu.memref_slice %arg6[%add3A_57, %run_scoped3A_65, %dma_wait3A_80] : memref<40x2x128xi32, #tpu.memory_space<vmem>> -> memref<1x1x128xi32, #tpu.memory_space<vmem>>
          %dma_wait3A_82 = tpu.memref_squeeze %dma_wait3A_81 : memref<1x1x128xi32, #tpu.memory_space<vmem>> -> memref<128xi32, #tpu.memory_space<vmem>>
          %dma_wait3A_83 = arith.constant 0 : i32
          %dma_wait3A_84 = arith.constant 0 : i32
          %dma_wait3A_85 = tpu.memref_slice %arg9[%dma_wait3A_83, %dma_wait3A_84] : memref<10240x128xf32, #tpu.memory_space<vmem_shared>> -> memref<10240x128xf32, #tpu.memory_space<vmem_shared>>
          tpu.wait_indirect_dma semaphore(%run_scoped3A_73 : memref<!tpu.dma_semaphore, #tpu.memory_space<semaphore_mem>>) src(%arg8 : memref<128x128xf32, #tpu.memory_space<vmem>>) dst(%dma_wait3A_85 : memref<10240x128xf32, #tpu.memory_space<vmem_shared>>)
          tpu.yield
        }) : () -> ()
        %add3A_66 = arith.constant 2 : i32
        %add3A_67 = arith.addi %add3A_57, %add3A_66 : i32
        %lt3A_68 = arith.constant 40 : i32
        %lt3A_69 = arith.cmpi slt, %add3A_67, %lt3A_68 : i32
        %convert_element_type3A_70 = arith.extui %lt3A_69 : i1 to i32
        %cond3A_71 = arith.constant 0 : i32
        %cond3A_72 = arith.cmpi ne, %convert_element_type3A_70, %cond3A_71 : i32
        scf.if %cond3A_72 {
          %add3A_73 = arith.constant 2 : i32
          %add3A_74 = arith.addi %add3A_57, %add3A_73 : i32
          %dma_start3A_75 = arith.constant 0 : i32
          %dma_start3A_76 = arith.constant 0 : i32
          %dma_start3A_77 = tpu.memref_slice %arg6[%add3A_74, %dma_start3A_75, %dma_start3A_76] : memref<40x2x128xi32, #tpu.memory_space<vmem>> -> memref<1x1x128xi32, #tpu.memory_space<vmem>>
          %dma_start3A_78 = tpu.memref_squeeze %dma_start3A_77 : memref<1x1x128xi32, #tpu.memory_space<vmem>> -> memref<128xi32, #tpu.memory_space<vmem>>
          %dma_start3A_79 = arith.constant 0 : i32
          %dma_start3A_80 = arith.constant 0 : i32
          %dma_start3A_81 = tpu.memref_slice %arg2[%dma_start3A_79, %dma_start3A_80] : memref<10000x128xf32, #tpu.memory_space<hbm>> -> memref<10000x128xf32, #tpu.memory_space<hbm>>
          tpu.enqueue_indirect_dma source(%dma_start3A_81 : memref<10000x128xf32, #tpu.memory_space<hbm>>) target(%arg8 : memref<128x128xf32, #tpu.memory_space<vmem>>) offsets(%dma_start3A_78 : memref<128xi32, #tpu.memory_space<vmem>>) semaphore(%arg11 : memref<!tpu.dma_semaphore, #tpu.memory_space<semaphore_mem>>)
        } else {
        }
      }
      %scan3A_38 = arith.constant 20 : i32
    }
    %scan3A_9 = arith.constant 2 : i32
    %barrier3A_10 = arith.constant 0 : index
    tpu.barrier barrier_id(%barrier3A_10)
    %mul3A_11 = arith.constant 640 : i32
    %mul3A_12 = arith.muli %arg1, %mul3A_11 : i32
    %mul3A_13 = arith.constant 640 : i32
    %mul3A_14 = arith.muli %arg1, %mul3A_13 : i32
    "tpu.region"() ({
      %run_scoped3A = tpu.sem_alloc : memref<!tpu.dma_semaphore, #tpu.memory_space<semaphore_mem>>
      %dma_start3A = arith.constant 0 : i32
      %dma_start3A_15 = tpu.memref_slice %arg5[%arg0, %mul3A_14, %dma_start3A] : memref<2x10240x128xf32, #tpu.memory_space<hbm>> -> memref<1x640x128xf32, #tpu.memory_space<hbm>>
      %dma_start3A_16 = tpu.memref_squeeze %dma_start3A_15 : memref<1x640x128xf32, #tpu.memory_space<hbm>> -> memref<640x128xf32, #tpu.memory_space<hbm>>
      %dma_start3A_17 = arith.constant 0 : i32
      %dma_start3A_18 = tpu.memref_slice %arg9[%mul3A_12, %dma_start3A_17] : memref<10240x128xf32, #tpu.memory_space<vmem_shared>> -> memref<640x128xf32, #tpu.memory_space<vmem_shared>>
      tpu.enqueue_dma source(%dma_start3A_18 : memref<640x128xf32, #tpu.memory_space<vmem_shared>>) target(%dma_start3A_16 : memref<640x128xf32, #tpu.memory_space<hbm>>) target_semaphore(%run_scoped3A : memref<!tpu.dma_semaphore, #tpu.memory_space<semaphore_mem>>)
      %dma_wait3A = arith.constant 0 : i32
      %dma_wait3A_19 = tpu.memref_slice %arg5[%arg0, %mul3A_14, %dma_wait3A] : memref<2x10240x128xf32, #tpu.memory_space<hbm>> -> memref<1x640x128xf32, #tpu.memory_space<hbm>>
      %dma_wait3A_20 = tpu.memref_squeeze %dma_wait3A_19 : memref<1x640x128xf32, #tpu.memory_space<hbm>> -> memref<640x128xf32, #tpu.memory_space<hbm>>
      %dma_wait3A_21 = arith.constant 0 : i32
      %dma_wait3A_22 = tpu.memref_slice %arg9[%mul3A_12, %dma_wait3A_21] : memref<10240x128xf32, #tpu.memory_space<vmem_shared>> -> memref<640x128xf32, #tpu.memory_space<vmem_shared>>
      tpu.wait_dma2 semaphore(%run_scoped3A : memref<!tpu.dma_semaphore, #tpu.memory_space<semaphore_mem>>) src(%dma_wait3A_22 : memref<640x128xf32, #tpu.memory_space<vmem_shared>>) dst(%dma_wait3A_20 : memref<640x128xf32, #tpu.memory_space<hbm>>)
      tpu.yield
    }) : () -> ()
    return
  }
}

module attributes {stable_mosaic.version = 14 : i64} {
  func.func @_tc_prep_body(%arg0: memref<10000x128xf32, #tpu.memory_space<vmem>>, %arg1: memref<128x128xf32, #tpu.memory_space<vmem>>, %arg2: memref<2x10240x128xf32, #tpu.memory_space<vmem>>, %arg3: memref<10000x128xf32, #tpu.memory_space<vmem>>) attributes {dimension_semantics = [], scalar_prefetch = 0 : i64, scratch_operands = 0 : i64, tpu.core_type = #tpu.core_type<tc>} {
    %get3A = arith.constant 0 : index
    %get3A_0 = arith.constant 0 : index
    %get3A_1 = arith.constant 0 : index
    %get3A_2 = vector.load %arg2[%get3A, %get3A_0, %get3A_1] : memref<2x10240x128xf32, #tpu.memory_space<vmem>>, vector<1x10000x1xf32>
    %get3A_3 = vector.shape_cast %get3A_2 : vector<1x10000x1xf32> to vector<10000x1xf32>
    %get3A_4 = arith.constant 1 : index
    %get3A_5 = arith.constant 0 : index
    %get3A_6 = arith.constant 0 : index
    %get3A_7 = vector.load %arg2[%get3A_4, %get3A_5, %get3A_6] : memref<2x10240x128xf32, #tpu.memory_space<vmem>>, vector<1x10000x1xf32>
    %get3A_8 = vector.shape_cast %get3A_7 : vector<1x10000x1xf32> to vector<10000x1xf32>
    %add3A = arith.addf %get3A_3, %get3A_8 : vector<10000x1xf32>
    %add3A_9 = arith.constant 1.000000e+00 : f32
    %add3A_10 = vector.broadcast %add3A_9 : f32 to vector<10000x1xf32>
    %add3A_11 = arith.addf %add3A, %add3A_10 : vector<10000x1xf32>
    %rsqrt3A = math.rsqrt %add3A_11 : vector<10000x1xf32>
    %get3A_12 = arith.constant 0 : index
    %get3A_13 = arith.constant 0 : index
    %get3A_14 = vector.load %arg0[%get3A_12, %get3A_13] : memref<10000x128xf32, #tpu.memory_space<vmem>>, vector<10000x128xf32>
    %get3A_15 = arith.constant 0 : index
    %get3A_16 = arith.constant 0 : index
    %get3A_17 = vector.load %arg1[%get3A_15, %get3A_16] : memref<128x128xf32, #tpu.memory_space<vmem>>, vector<128x128xf32>
    %dot_general3A = arith.constant dense<0.000000e+00> : vector<10000x128xf32>
    %dot_general3A_18 = tpu.matmul %get3A_14, %get3A_17, %dot_general3A {dimension_numbers = #tpu.dot_dimension_numbers<[1], [0], [0], [1], [0, 0, 1, 1], [], []>, precision = #tpu.contract_precision<fp32>, transpose_lhs_hint = false} : vector<10000x128xf32>, vector<128x128xf32>, vector<10000x128xf32> -> vector<10000x128xf32>
    %mul3A = vector.broadcast %rsqrt3A : vector<10000x1xf32> to vector<10000x128xf32>
    %mul3A_19 = arith.mulf %dot_general3A_18, %mul3A : vector<10000x128xf32>
    %swap3A = arith.constant 0 : index
    %swap3A_20 = arith.constant 0 : index
    %swap3A_21 = vector.load %arg3[%swap3A, %swap3A_20] : memref<10000x128xf32, #tpu.memory_space<vmem>>, vector<10000x128xf32>
    tpu.vector_store %arg3[%swap3A, %swap3A_20], %mul3A_19 {strides = array<i32>} : memref<10000x128xf32, #tpu.memory_space<vmem>>, vector<10000x128xf32>,
    return
  }
}

module attributes {stable_mosaic.version = 14 : i64} {
  func.func @_tc_fin_body(%arg0: memref<2x10240x128xf32, #tpu.memory_space<vmem>>, %arg1: memref<2x10240x128xf32, #tpu.memory_space<vmem>>, %arg2: memref<10000x128xf32, #tpu.memory_space<vmem>>, %arg3: memref<1x128xf32, #tpu.memory_space<vmem>>, %arg4: memref<1x128xf32, #tpu.memory_space<vmem>>, %arg5: memref<1x128xf32, #tpu.memory_space<vmem>>, %arg6: memref<10000x128xf32, #tpu.memory_space<vmem>>) attributes {dimension_semantics = [], scalar_prefetch = 0 : i64, scratch_operands = 0 : i64, tpu.core_type = #tpu.core_type<tc>} {
    %get3A = arith.constant 0 : index
    %get3A_0 = arith.constant 0 : index
    %get3A_1 = arith.constant 0 : index
    %get3A_2 = vector.load %arg1[%get3A, %get3A_0, %get3A_1] : memref<2x10240x128xf32, #tpu.memory_space<vmem>>, vector<1x10000x1xf32>
    %get3A_3 = vector.shape_cast %get3A_2 : vector<1x10000x1xf32> to vector<10000x1xf32>
    %get3A_4 = arith.constant 1 : index
    %get3A_5 = arith.constant 0 : index
    %get3A_6 = arith.constant 0 : index
    %get3A_7 = vector.load %arg1[%get3A_4, %get3A_5, %get3A_6] : memref<2x10240x128xf32, #tpu.memory_space<vmem>>, vector<1x10000x1xf32>
    %get3A_8 = vector.shape_cast %get3A_7 : vector<1x10000x1xf32> to vector<10000x1xf32>
    %add3A = arith.addf %get3A_3, %get3A_8 : vector<10000x1xf32>
    %add3A_9 = arith.constant 1.000000e+00 : f32
    %add3A_10 = vector.broadcast %add3A_9 : f32 to vector<10000x1xf32>
    %add3A_11 = arith.addf %add3A, %add3A_10 : vector<10000x1xf32>
    %rsqrt3A = math.rsqrt %add3A_11 : vector<10000x1xf32>
    %get3A_12 = arith.constant 0 : index
    %get3A_13 = arith.constant 0 : index
    %get3A_14 = arith.constant 0 : index
    %get3A_15 = vector.load %arg0[%get3A_12, %get3A_13, %get3A_14] : memref<2x10240x128xf32, #tpu.memory_space<vmem>>, vector<1x10000x128xf32>
    %get3A_16 = vector.shape_cast %get3A_15 : vector<1x10000x128xf32> to vector<10000x128xf32>
    %get3A_17 = arith.constant 1 : index
    %get3A_18 = arith.constant 0 : index
    %get3A_19 = arith.constant 0 : index
    %get3A_20 = vector.load %arg0[%get3A_17, %get3A_18, %get3A_19] : memref<2x10240x128xf32, #tpu.memory_space<vmem>>, vector<1x10000x128xf32>
    %get3A_21 = vector.shape_cast %get3A_20 : vector<1x10000x128xf32> to vector<10000x128xf32>
    %add3A_22 = arith.addf %get3A_16, %get3A_21 : vector<10000x128xf32>
    %get3A_23 = arith.constant 0 : index
    %get3A_24 = arith.constant 0 : index
    %get3A_25 = vector.load %arg2[%get3A_23, %get3A_24] : memref<10000x128xf32, #tpu.memory_space<vmem>>, vector<10000x128xf32>
    %add3A_26 = arith.addf %add3A_22, %get3A_25 : vector<10000x128xf32>
    %mul3A = vector.broadcast %rsqrt3A : vector<10000x1xf32> to vector<10000x128xf32>
    %mul3A_27 = arith.mulf %add3A_26, %mul3A : vector<10000x128xf32>
    %get3A_28 = arith.constant 0 : index
    %get3A_29 = arith.constant 0 : index
    %get3A_30 = vector.load %arg3[%get3A_28, %get3A_29] : memref<1x128xf32, #tpu.memory_space<vmem>>, vector<1x128xf32>
    %add3A_31 = vector.broadcast %get3A_30 : vector<1x128xf32> to vector<10000x128xf32>
    %add3A_32 = arith.addf %mul3A_27, %add3A_31 : vector<10000x128xf32>
    %reduce_sum3A = arith.constant dense<0.000000e+00> : vector<128xf32>
    %reduce_sum3A_33 = vector.multi_reduction <add>, %add3A_32, %reduce_sum3A [0] : vector<10000x128xf32> to vector<128xf32>
    %broadcast_in_dim3A = vector.shape_cast %reduce_sum3A_33 : vector<128xf32> to vector<1x128xf32>
    %div3A = arith.constant 1.000000e+04 : f32
    %div3A_34 = vector.broadcast %div3A : f32 to vector<1x128xf32>
    %div3A_35 = arith.divf %broadcast_in_dim3A, %div3A_34 : vector<1x128xf32>
    %sub3A = vector.broadcast %div3A_35 : vector<1x128xf32> to vector<10000x128xf32>
    %sub3A_36 = arith.subf %add3A_32, %sub3A : vector<10000x128xf32>
    %mul3A_37 = arith.mulf %sub3A_36, %sub3A_36 : vector<10000x128xf32>
    %reduce_sum3A_38 = arith.constant dense<0.000000e+00> : vector<128xf32>
    %reduce_sum3A_39 = vector.multi_reduction <add>, %mul3A_37, %reduce_sum3A_38 [0] : vector<10000x128xf32> to vector<128xf32>
    %broadcast_in_dim3A_40 = vector.shape_cast %reduce_sum3A_39 : vector<128xf32> to vector<1x128xf32>
    %div3A_41 = arith.constant 1.000000e+04 : f32
    %div3A_42 = vector.broadcast %div3A_41 : f32 to vector<1x128xf32>
    %div3A_43 = arith.divf %broadcast_in_dim3A_40, %div3A_42 : vector<1x128xf32>
    %add3A_44 = arith.constant 9.99999974E-6 : f32
    %add3A_45 = vector.broadcast %add3A_44 : f32 to vector<1x128xf32>
    %add3A_46 = arith.addf %div3A_43, %add3A_45 : vector<1x128xf32>
    %rsqrt3A_47 = math.rsqrt %add3A_46 : vector<1x128xf32>
    %mul3A_48 = vector.broadcast %rsqrt3A_47 : vector<1x128xf32> to vector<10000x128xf32>
    %mul3A_49 = arith.mulf %sub3A_36, %mul3A_48 : vector<10000x128xf32>
    %get3A_50 = arith.constant 0 : index
    %get3A_51 = arith.constant 0 : index
    %get3A_52 = vector.load %arg4[%get3A_50, %get3A_51] : memref<1x128xf32, #tpu.memory_space<vmem>>, vector<1x128xf32>
    %mul3A_53 = vector.broadcast %get3A_52 : vector<1x128xf32> to vector<10000x128xf32>
    %mul3A_54 = arith.mulf %mul3A_49, %mul3A_53 : vector<10000x128xf32>
    %get3A_55 = arith.constant 0 : index
    %get3A_56 = arith.constant 0 : index
    %get3A_57 = vector.load %arg5[%get3A_55, %get3A_56] : memref<1x128xf32, #tpu.memory_space<vmem>>, vector<1x128xf32>
    %add3A_58 = vector.broadcast %get3A_57 : vector<1x128xf32> to vector<10000x128xf32>
    %add3A_59 = arith.addf %mul3A_54, %add3A_58 : vector<10000x128xf32>
    %swap3A = arith.constant 0 : index
    %swap3A_60 = arith.constant 0 : index
    %swap3A_61 = vector.load %arg6[%swap3A, %swap3A_60] : memref<10000x128xf32, #tpu.memory_space<vmem>>, vector<10000x128xf32>
    tpu.vector_store %arg6[%swap3A, %swap3A_60], %add3A_59 {strides = array<i32>} : memref<10000x128xf32, #tpu.memory_space<vmem>>, vector<10000x128xf32>,
    return
  }
}

</mosaic_0001>

<sc_bundles>
// kernel: kernel.6.cloned.1.call-start
scs
__scs_entry_jumppad:
0x0: {  	(pc) =	sbr.rel $0x88, $3  }
0x1: {  	(tag) =	ssettag $0x0;
	lr =	simm.s32 $0x1  }
0x2: {  	[smem:$0x3F9B] =	sst lr;
	_ =	strace $0xD0000000  }
0x3: {  	_ = 	snop  }
0x4: {  	_ = 	snop  }
0x5: {  	_ = 	snop  }
0x6: {  	_ = 	snop  }
0x7: {  	_ = 	snop  }
__scs_overlays_trampoline_lowered:
0x8: {  	[smem:$0x3FAA] =	sst s0  }
0x9: {  	[smem:$0x3FAB] =	sst s1  }
0xa: {  	[smem:$0x3FAC] =	sst s2  }
0xb: {  	[smem:$0x3FAD] =	sst s3  }
0xc: {  	[smem:$0x3FAE] =	sst s4  }
0xd: {  	[smem:$0x3FAF] =	sst s5  }
0xe: {  	[smem:$0x3FB0] =	sst s6  }
0xf: {  	[smem:$0x3FB1] =	sst s7  }
0x10: {  	[smem:$0x3FB2] =	sst s8  }
0x11: {  	[smem:$0x3FB3] =	sst s9;
	s0 =	simm.s32 @!p0 $0x0  }
0x12: {  	s1 =	sld [smem:$0x3F99];
	s0 =	simm.s32 @p0 $0x1  }
0x13: {  	[smem:$0x3FB4] =	sst s0;
	s0 =	simm.s32 @!p1 $0x0  }
0x14: {  	s2 =	sld [smem:$0x3F98];
	s0 =	simm.s32 @p1 $0x1  }
0x15: {  	[smem:$0x3FB5] =	sst s0;
	s0 =	simm.s32 @!p2 $0x0  }
0x16: {  	s3 =	sld [smem:$0x3FDB];
	s0 =	simm.s32 @p2 $0x1  }
0x17: {  	s4 =	simm.s32 $0x1BF5;
	[smem:$0x3FB7] =	sst s0  }
0x18: {  	s0 =	sld [smem:$0x3F9A];
	_ =	swait.ge [sflag:s4], $0x0  }
0x19: {  	s7 =	sld [smem:$0x3F9B]  }
0x1a: {  	s8 =	sadd.s32 $0xFFFFE003, lr  }
0x1b: {  	s9 =	sadd.s32 $0xFFFFFEF7, lr;
	s5 =	simm.s32 $0xFFFFFFFF;
	p2 =	slt.u32 s8, $0xFFFFF086  }
0x1c: {  	p1 =	slt.u32 s9, $0xF7A;
	s5 =	simm.s32 @!p2 $0x0  }
0x1d: {  	s5 =	simm.s32 @p1 $0x1;
	p0 =	seq.s32 s7, s2  }
0x1e: {  	s7 =	smul.u32 @!p0 $0xF7A, s2;
	p2 =	seq.s32 @!p0 s5, $0x0  }
0x1f: {  	s9 =	smul.u32 $0xF7A, s1;
	s8 =	simm.s32 @!p0 $0x1BF5;
	p2 =	por !p2, p0  }
0x20: {  	[sflag:s8] =	ssyncset.s32 @!p0 $0xFFFFF086;
	s6 =	sadd.s32 @!p0 s3, s7;
	s7 =	simm.s32 @!p0 $0x108  }
0x21: {  	s3 =	sadd.s32 s3, s9;
	s6 =	sadd.s32 @!p0 $0x88, s6;
	s7 =	simm.s32 @p2 $0x1082  }
0x22: {  	[simem:s7], [sflag:s8] =	dma.local @!p0 [hbm:s6], $0xF7A  }
0x23: {  	s9 =	sor.u32 $0xD0000000, s2;
	s6 =	simm.s32 $0x108;
	_ =	swait.ge @!p0 [sflag:s8], $0x0  }
0x24: {  	s3 =	sadd.s32 $0x88, s3;
	s6 =	simm.s32 @!p1 $0x1082;
	[sflag:s4] =	ssyncset.s32 $0xFFFFF086  }
0x25: {  	[simem:s6], [sflag:s4] =	dma.local [hbm:s3], $0xF7A  }
0x26: {  	[smem:$0x3F9B] =	sst s1;
	(tag) =	ssettag s2;
	_ =	strace s9  }
0x27: {  	s1 =	sld [smem:$0x3FAB]  }
0x28: {  	s2 =	sld [smem:$0x3FAC]  }
0x29: {  	s4 =	sld [smem:$0x3FAE]  }
0x2a: {  	p0 =	seq.s32 s5, $0x0;
	s5 =	sld [smem:$0x3FAF]  }
0x2b: {  	s6 =	sld [smem:$0x3FB0]  }
0x2c: {  	s7 =	sld [smem:$0x3FB1]  }
0x2d: {  	s3 =	simm.s32 $0x108;
	s8 =	sld [smem:$0x3FB2]  }
0x2e: {  	s3 =	simm.s32 @!p0 $0x1082;
	s9 =	sld [smem:$0x3FB3]  }
0x2f: {  	lr =	sadd.s32 s0, s3;
	s0 =	sld [smem:$0x3FAA]  }
0x30: {  	s3 =	sld [smem:$0x3FAD]  }
0x31: {  	[smem:$0x3FB6] =	sst s10  }
0x32: {  	s10 =	sld [smem:$0x3FB4];
	_ =	sdelay $0x3  }
0x33: {  	p0 =	seq.s32 s10, $0x1;
	s10 =	sld [smem:$0x3FB6];
	_ =	sdelay $0x3  }
0x34: {  	[smem:$0x3FB6] =	sst s10  }
0x35: {  	s10 =	sld [smem:$0x3FB5];
	_ =	sdelay $0x3  }
0x36: {  	p1 =	seq.s32 s10, $0x1;
	s10 =	sld [smem:$0x3FB6];
	_ =	sdelay $0x3  }
0x37: {  	[smem:$0x3FB6] =	sst s10  }
0x38: {  	s10 =	sld [smem:$0x3FB7]  }
0x39: {  	_ = 	snop;
	(pc) =	sbr.ind lr, $3  }
0x3a: {  	_ = 	snop  }
0x3b: {  	_ = 	snop  }
0x3c: {  	p2 =	seq.s32 s10, $0x1;
	s10 =	sld [smem:$0x3FB6]  }
0x3d: {  	_ =	shalt  }
0x3e: {  	_ =	shalt  }
0x3f: {  	_ =	shalt  }
0x40: {  	_ =	shalt  }
0x41: {  	_ =	shalt  }
0x42: {  	_ =	shalt  }
0x43: {  	_ =	shalt  }
0x44: {  	_ =	shalt  }
0x45: {  	_ =	shalt  }
0x46: {  	_ =	shalt  }
0x47: {  	_ =	shalt  }
0x48: {  	_ =	shalt  }
0x49: {  	_ =	shalt  }
0x4a: {  	_ =	shalt  }
0x4b: {  	_ =	shalt  }
0x4c: {  	_ =	shalt  }
0x4d: {  	_ =	shalt  }
0x4e: {  	_ =	shalt  }
0x4f: {  	_ =	shalt  }
0x50: {  	_ =	shalt  }
0x51: {  	_ =	shalt  }
0x52: {  	_ =	shalt  }
0x53: {  	_ =	shalt  }
0x54: {  	_ =	shalt  }
0x55: {  	_ =	shalt  }
0x56: {  	_ =	shalt  }
0x57: {  	_ =	shalt  }
0x58: {  	_ =	shalt  }
0x59: {  	_ =	shalt  }
0x5a: {  	_ =	shalt  }
0x5b: {  	_ =	shalt  }
0x5c: {  	_ =	shalt  }
0x5d: {  	_ =	shalt  }
0x5e: {  	_ =	shalt  }
0x5f: {  	_ =	shalt  }
0x60: {  	_ =	shalt  }
0x61: {  	_ =	shalt  }
0x62: {  	_ =	shalt  }
0x63: {  	_ =	shalt  }
0x64: {  	_ =	shalt  }
0x65: {  	_ =	shalt  }
0x66: {  	_ =	shalt  }
0x67: {  	_ =	shalt  }
0x68: {  	_ =	shalt  }
0x69: {  	_ =	shalt  }
0x6a: {  	_ =	shalt  }
0x6b: {  	_ =	shalt  }
0x6c: {  	_ =	shalt  }
0x6d: {  	_ =	shalt  }
0x6e: {  	_ =	shalt  }
0x6f: {  	_ =	shalt  }
0x70: {  	_ =	shalt  }
0x71: {  	_ =	shalt  }
0x72: {  	_ =	shalt  }
0x73: {  	_ =	shalt  }
0x74: {  	_ =	shalt  }
0x75: {  	_ =	shalt  }
0x76: {  	_ =	shalt  }
0x77: {  	_ =	shalt  }
0x78: {  	_ =	shalt  }
0x79: {  	_ =	shalt  }
0x7a: {  	_ =	shalt  }
0x7b: {  	_ =	shalt  }
0x7c: {  	_ =	shalt  }
0x7d: {  	_ =	shalt  }
0x7e: {  	_ =	shalt  }
0x7f: {  	_ =	shalt  }
0x80: {  	_ =	shalt  }
0x81: {  	_ =	shalt  }
0x82: {  	_ =	shalt  }
0x83: {  	_ =	shalt  }
0x84: {  	_ =	shalt  }
0x85: {  	_ =	shalt  }
0x86: {  	_ =	shalt  }
0x87: {  	_ =	shalt  }
.Lfunc_end0:
.L_simem_size_0:
called_computation_lowered:
.L_overlay_start_0:
0x88: {  	s2 =	sld [smem:$0x3FD9]  }
0x89: {  	s3 =	sld [smem:$0x3FFE];
	_ =	sdelay $0x1  }
0x8a: {  	s1 =	srdreg.scid  }
0x8b: {  	s0 =	sand.u32 $0x1, s1  }
0x8c: {  	s17 =	sshll.u32 s0, $0xA;
	s2 =	sadd.s32 s3, s2  }
0x8d: {  	s2 =	sadd.s32 s2, s17  }
0x8e: {  	[smem:$0x3FC2] =	sst s2  }
0x8f: {  	_ = 	snop  }
0x90: {  	s2 =	sld [smem:$0x3FD0];
	(tm) =	ssettm $0x1  }
0x91: {  	s18 =	sld [smem:$0x3FFB];
	_ =	sdelay $0x3  }
0x92: {  	_ =	strace s18  }
0x93: {  	s3 =	sld [smem:$0x3FFC];
	_ =	sdelay $0x3  }
0x94: {  	_ =	strace s3  }
0x95: {  	s3 =	sld [smem:$0x3FFD];
	_ =	sdelay $0x3  }
0x96: {  	_ =	strace s3  }
0x97: {  	_ =	strace $0x8FFFFFFF  }
0x98: {  	s19 =	sld [smem:$0x3FDB];
	_ =	sdelay $0x1  }
0x99: {  	s4 =	simm.s32 $_scs_section_size  }
0x9a: {  	s5 =	simm.s32 $_size__tile_overlayer_lowered;
	s6 =	simm.s32 $_tile_overlayer_lowered  }
0x9b: {  	s22 =	simm.s32 $0x1BFF;
	s21 =	sshll.u32 s6, $0x1;
	s3 =	sadd.s32 s4, s19  }
0x9c: {  	s7 =	simm.s32 $0x0;
	s20 =	sshll.u32 s5, $0x1;
	s5 =	sadd.s32 s21, s3  }
0x9d: {  	[timem:s7], [sflag:s22] =	dma.local [hbm:s5], s20  }
0x9e: {  	_ =	swait.ge [sflag:s22], s20  }
0x9f: {  	s4 =	ssub.s32 $0x0, s20;
	[sflag:s22] =	ssyncset.done $0x0  }
0xa0: {  	[sflag:s22] =	ssyncadd.s32 s4;
	_ =	sdelay $0x1  }
0xa1: {  	s23 =	simm.s32 $0x1B8B  }
0xa2: {  	_ =	swait.ge [sflag:s23], $0x1  }
0xa3: {  	[sflag:s23] =	ssyncset.done $0x0  }
0xa4: {  	s25 =	simm.s32 $0x1B8E;
	s24 =	sld [smem:$0x3FFE];
	[sflag:s23] =	ssyncadd.s32 $0xFFFFFFFF  }
0xa5: {  	s26 =	simm.s32 $execute0_lowered;
	[smem:$0x3FD2] =	sst s25  }
0xa6: {  	s5 =	sshll.u32 s26, $0x1;
	_ =	strace $0x80000046;
	[dreg:$0x1] =	wrdreg $0xFFFFFFFF  }
0xa7: {  	s28 =	simm.s32 $_size_execute0_lowered;
	s3 =	sadd.s32 s3, s5;
	[dreg:$0x0] =	wrdreg $0x0  }
0xa8: {  	s5 =	sshll.u32 s28, $0x1;
	[dreg:$0x2] =	wrdreg s3  }
0xa9: {  	[dreg:$0x3] =	wrdreg s5  }
0xaa: {  	[dreg:$0x4] =	wrdreg $0xC0  }
0xab: {  	_ =	task [dreg:s7], $0x5FFFF  }
0xac: {  	[dreg:$0x1] =	wrdreg $0xFFFFFFFF  }
0xad: {  	[dreg:$0x0] =	wrdreg $0x60  }
0xae: {  	[dreg:$0x2] =	wrdreg s2  }
0xaf: {  	[dreg:$0x3] =	wrdreg s24  }
0xb0: {  	[dreg:$0x4] =	wrdreg $0x68000  }
0xb1: {  	[dreg:$0x5] =	wrdreg $0x9  }
0xb2: {  	_ =	task.clear_ibuf [dreg:s7], $0x6FFFF;
	_ =	strace $0x90000046  }
0xb3: {  	s29 =	simm.s32 $0x9;
	_ =	strace $0x80000048  }
0xb4: {  	_ =	swait.ge [sflag:s29], $0x1  }
0xb5: {  	[sflag:s29] =	ssyncadd.s32 $0xFFFFFFFF  }
0xb6: {  	_ =	strace $0x90000048  }
0xb7: {  	_ =	sfence  }
0xb8: {  	s30 =	sld [smem:$0x0];
	_ =	sdelay $0x2  }
0xb9: {  	s31 =	sshll.u32 s1, $0xD;
	s1 =	sshrl.u32 s1, $0x2  }
0xba: {  	s3 =	sand.u32 $0x4000, s31;
	s1 =	sadd.s32 s1, s30  }
0xbb: {  	s0 =	sor.u32 s3, s0;
	s1 =	sshll.u32 s1, $0x11  }
0xbc: {  	s0 =	sor.u32 s1, s0  }
0xbd: {  	s0 =	sadd.s32 $0x8F2B, s0  }
0xbe: {  	[sflag:s0] =	ssyncadd.remote.s32 $0x1  }
0xbf: {  	_ =	sfence.sel $0xFFFF  }
0xc0: {  	[dreg:$0x0] =	wrdreg $0xFFFFFFFF;
	(pc) =	sbr.abs _section_cstart, $3  }
0xc1: {  	[dreg:$0x1] =	wrdreg $0xFFFFFFFF  }
0xc2: {  	_ =	task.clear_ibuf [dreg:s7], $0x2FFFF;
	_ =	strace $0x9FFFFFFF  }
0xc3: {  	(tm) =	ssettm $0x7FFFFFFF  }
tec
execute0_lowered:
.L_overlay_start_1:
0x0: {  	(tag) =	ssettag $0x1  }
0x1: {  	s7 =	rddreg [dreg:$0x0]  }
0x2: {  	s5 =	rddreg [dreg:$0x1];
	s0 =	stileid.u32  }
0x3: {  	s1 =	srdreg.scid;
	s2 =	rddreg [dreg:$0x2]  }
0x4: {  	s3 =	simm.s32 $0x0;
	s13 =	simm.s32 $0x80;
	s14 =	simm.s32 $0x0  }
0x5: {  	s4 =	smul.u32 $0x14000, s0;
	s6 =	sand.u32 $0x1, s1;
	s1 =	rddreg [dreg:$0x3]  }
0x6: {  	[smem:$0x7FF] =	sst s3;
	s11 =	smul.u32 $0x50000, s0;
	s31 =	sshll.u32 s0, $0x6  }
0x7: {  	s8 =	smul.u32 $0x140000, s6;
	_ =	strace $0x80000047;
	s10 =	ssub.s32 $0x2, s6  }
0x8: {  	s6 =	sshll.u32 s6, $0x4;
	s9 =	sshrl.u32 s4, $0x3;
	s28 =	sshrl.u32 s10, $0x1  }
0x9: {  	s6 =	sor.u32 s0, s6;
	s29 =	sshrl.u32 s11, $0x2;
	s11 =	simm.s32 $0x1  }
0xa: {  	s8 =	sadd.s32 s4, s8;
	s4 =	sadd.s32 $0x1A00, s5;
	s9 =	sadd.s32 s9, s5  }
0xb: {  	s10 =	ssub.s32 s10, s28;
	s30 =	smul.u32 $0x500, s6;
	s8 =	sshrl.u32 s8, $0x3  }
0xc: {  	s12 =	sadd.s32 s29, s2;
	s6 =	sor.u32 $0x1C01, s31;
	s8 =	sadd.s32 s8, s5  }
0xd: {  	s5 =	sadd.s32 $0x2200, s9;
	s7 =	sadd.s32 s7, s30;
	s9 =	smax.u32 s10, $0x1  }
0xe: {  	s10 =	sshrl.u32 s12, $0x3;
	s12 =	simm.s32 $0x2800;
	s8 =	sadd.s32 $0x2A200, s8  }
.LBB2_1:
0xf: {  	[spmem:s10], [sflag:s6] =	dma.local [hbm:s5], $0x2800  }
0x10: {  	_ =	swait.ge [sflag:s11], $0x2800  }
0x11: {  	[sflag:s11] =	ssyncset.done $0x0  }
0x12: {  	[sflag:s11] =	ssyncadd.s32 $0xFFFFD800  }
0x13: {  	[tilespmem:s12], [sflag:$0x1] =	stream.linear.gather [hbm4b:s4+s3], $0x4000, $0x38;
	[tilespmem:$0x1A800] =	vst v63  }
0x14: {  	_ =	swait.ge [sflag:s11], $0x4000  }
0x15: {  	[sflag:s11] =	ssyncset.done $0x0  }
0x16: {  	[sflag:s11] =	ssyncadd.s32 $0xFFFFC000  }
0x17: {  	[tilespmem:s3], [sflag:$0x1] =	stream.linear.gather [hbm4b:s7+s3], $0x2800, $0x38;
	[tilespmem:$0x1A800] =	vst v63  }
0x18: {  	_ =	swait.ge [sflag:s11], $0x2800  }
0x19: {  	[sflag:s11] =	ssyncset.done $0x0  }
0x1a: {  	[sflag:s11] =	ssyncadd.s32 $0xFFFFD800  }
0x1b: {  	s15 =	simm.s32 $0x0;
	[bflag:$0x0] =	sbarrier.arrive $0xFFFF  }
0x1c: {  	[spmem:s2] =	stream.indirect.scatter.add.f32 [tilespmem:s12], [sflag:$0x1], $0x80, s15, s13, $0xb8;
	[tilespmem:$0x1A800] =	vst v63  }
0x1d: {  	_ =	swait.ge [sflag:s11], $0x4000  }
0x1e: {  	s15 =	simm.s32 $0x200;
	[sflag:s11] =	ssyncset.done $0x0  }
.LBB2_2:
0x1f: {  	s16 =	sshra.s32 s15, $0x2;
	[sflag:s11] =	ssyncadd.s32 $0xFFFFC000;
	p0 =	sne.s32 s15, $0x9E00  }
0x20: {  	[spmem:s2] =	stream.indirect.scatter.add.f32 [tilespmem:s12], [sflag:$0x1], $0x80, s16, s13, $0xb8;
	[tilespmem:$0x1A800] =	vst v63  }
.Ltmp0:
0x21: {  	_ = 	snop;
	(pc) =	sbr.rel @p0 .LBB2_2-.Ltmp0, $4  }
0x22: {  	_ = 	snop  }
0x23: {  	s15 =	sadd.s32 $0x200, s15  }
0x24: {  	_ =	swait.ge [sflag:s11], $0x4000  }
0x25: {  	[sflag:s11] =	ssyncset.done $0x0  }
0x26: {  	s14 =	sadd.s32 $0x1, s14  }
0x27: {  	[sflag:s11] =	ssyncadd.s32 $0xFFFFC000;
	p0 =	sne.s32 s14, s9  }
.Ltmp1:
0x28: {  	[bflag:$0x0] =	sbarrier.arrive $0xFFFF;
	(pc) =	sbr.rel @p0 .LBB2_1-.Ltmp1, $4  }
0x29: {  	[hbm:s8], [sflag:s6] =	dma.local [spmem:s10], $0x2800  }
0x2a: {  	_ =	swait.ge [sflag:s11], $0x2800  }
0x2b: {  	[sflag:s11] =	ssyncset.done $0x0  }
0x2c: {  	[sflag:s11] =	ssyncadd.s32 $0xFFFFD800  }
0x2d: {  	_ =	sfence.sel $0x180000  }
0x2e: {  	[bflag:$0x0] =	sbarrier.arrive $0xFFFF  }
0x2f: {  	p0 =	sne.s32 s0, $0x0;
	_ =	strace $0x90000047  }
0x30: {  	s0 =	sadd.s32 @!p0 $0x100000, s1;
	[bflag:$0x2] =	sbarrier.arrive $0xFFFF  }
0x31: {  	[sflag:s0] =	ssyncadd.tile.s32 @!p0 $0x1;
	_ =	shalt  }
.Lfunc_end2:
_tile_overlayer_lowered:
.L_overlay_start_2:
0x32: {  	(tag) =	ssettag $0x2  }
0x33: {  	s0 =	rddreg [dreg:$0x0];
	s2 =	stileid.u32  }
0x34: {  	s1 =	rddreg [dreg:$0x1];
	p0 =	sne.s32 s2, $0x0  }
0x35: {  	s3 =	rddreg [dreg:$0x2];
	[bflag:$0x3] =	sbarrier.arrive $0xFFFF;
	s2 =	simm.s32 @!p0 $0x1C01  }
0x36: {  	[timem:s3], [sflag:s2] =	dma.local @!p0 [hbm:s0], s1  }
0x37: {  	s0 =	simm.s32 @!p0 $0x1  }
0x38: {  	_ =	swait.ge @!p0 [sflag:s0], s1  }
0x39: {  	s1 =	ssub.s32 @!p0 $0x0, s1;
	[sflag:s0] =	ssyncset.done @!p0 $0x0  }
0x3a: {  	[sflag:s0] =	ssyncadd.s32 @!p0 s1  }
0x3b: {  	[bflag:$0x3] =	sbarrier.arrive $0xFFFF  }
0x3c: {  	_ =	shalt  }

// kernel: kernel.9.cloned.1.call-start
scs
__scs_entry_jumppad:
0x0: {  	(pc) =	sbr.rel $0x88, $3  }
0x1: {  	(tag) =	ssettag $0x0;
	lr =	simm.s32 $0x1  }
0x2: {  	[smem:$0x3F9B] =	sst lr;
	_ =	strace $0xD0000000  }
0x3: {  	_ = 	snop  }
0x4: {  	_ = 	snop  }
0x5: {  	_ = 	snop  }
0x6: {  	_ = 	snop  }
0x7: {  	_ = 	snop  }
__scs_overlays_trampoline_lowered:
0x8: {  	[smem:$0x3FAA] =	sst s0  }
0x9: {  	[smem:$0x3FAB] =	sst s1  }
0xa: {  	[smem:$0x3FAC] =	sst s2  }
0xb: {  	[smem:$0x3FAD] =	sst s3  }
0xc: {  	[smem:$0x3FAE] =	sst s4  }
0xd: {  	[smem:$0x3FAF] =	sst s5  }
0xe: {  	[smem:$0x3FB0] =	sst s6  }
0xf: {  	[smem:$0x3FB1] =	sst s7  }
0x10: {  	[smem:$0x3FB2] =	sst s8  }
0x11: {  	[smem:$0x3FB3] =	sst s9;
	s0 =	simm.s32 @!p0 $0x0  }
0x12: {  	s1 =	sld [smem:$0x3F99];
	s0 =	simm.s32 @p0 $0x1  }
0x13: {  	[smem:$0x3FB4] =	sst s0;
	s0 =	simm.s32 @!p1 $0x0  }
0x14: {  	s2 =	sld [smem:$0x3F98];
	s0 =	simm.s32 @p1 $0x1  }
0x15: {  	[smem:$0x3FB5] =	sst s0;
	s0 =	simm.s32 @!p2 $0x0  }
0x16: {  	s3 =	sld [smem:$0x3FDB];
	s0 =	simm.s32 @p2 $0x1  }
0x17: {  	s4 =	simm.s32 $0x1BF5;
	[smem:$0x3FB7] =	sst s0  }
0x18: {  	s0 =	sld [smem:$0x3F9A];
	_ =	swait.ge [sflag:s4], $0x0  }
0x19: {  	s7 =	sld [smem:$0x3F9B]  }
0x1a: {  	s8 =	sadd.s32 $0xFFFFE003, lr  }
0x1b: {  	s9 =	sadd.s32 $0xFFFFFEF7, lr;
	s5 =	simm.s32 $0xFFFFFFFF;
	p2 =	slt.u32 s8, $0xFFFFF086  }
0x1c: {  	p1 =	slt.u32 s9, $0xF7A;
	s5 =	simm.s32 @!p2 $0x0  }
0x1d: {  	s5 =	simm.s32 @p1 $0x1;
	p0 =	seq.s32 s7, s2  }
0x1e: {  	s7 =	smul.u32 @!p0 $0xF7A, s2;
	p2 =	seq.s32 @!p0 s5, $0x0  }
0x1f: {  	s9 =	smul.u32 $0xF7A, s1;
	s8 =	simm.s32 @!p0 $0x1BF5;
	p2 =	por !p2, p0  }
0x20: {  	[sflag:s8] =	ssyncset.s32 @!p0 $0xFFFFF086;
	s6 =	sadd.s32 @!p0 s3, s7;
	s7 =	simm.s32 @!p0 $0x108  }
0x21: {  	s3 =	sadd.s32 s3, s9;
	s6 =	sadd.s32 @!p0 $0x88, s6;
	s7 =	simm.s32 @p2 $0x1082  }
0x22: {  	[simem:s7], [sflag:s8] =	dma.local @!p0 [hbm:s6], $0xF7A  }
0x23: {  	s9 =	sor.u32 $0xD0000000, s2;
	s6 =	simm.s32 $0x108;
	_ =	swait.ge @!p0 [sflag:s8], $0x0  }
0x24: {  	s3 =	sadd.s32 $0x88, s3;
	s6 =	simm.s32 @!p1 $0x1082;
	[sflag:s4] =	ssyncset.s32 $0xFFFFF086  }
0x25: {  	[simem:s6], [sflag:s4] =	dma.local [hbm:s3], $0xF7A  }
0x26: {  	[smem:$0x3F9B] =	sst s1;
	(tag) =	ssettag s2;
	_ =	strace s9  }
0x27: {  	s1 =	sld [smem:$0x3FAB]  }
0x28: {  	s2 =	sld [smem:$0x3FAC]  }
0x29: {  	s4 =	sld [smem:$0x3FAE]  }
0x2a: {  	p0 =	seq.s32 s5, $0x0;
	s5 =	sld [smem:$0x3FAF]  }
0x2b: {  	s6 =	sld [smem:$0x3FB0]  }
0x2c: {  	s7 =	sld [smem:$0x3FB1]  }
0x2d: {  	s3 =	simm.s32 $0x108;
	s8 =	sld [smem:$0x3FB2]  }
0x2e: {  	s3 =	simm.s32 @!p0 $0x1082;
	s9 =	sld [smem:$0x3FB3]  }
0x2f: {  	lr =	sadd.s32 s0, s3;
	s0 =	sld [smem:$0x3FAA]  }
0x30: {  	s3 =	sld [smem:$0x3FAD]  }
0x31: {  	[smem:$0x3FB6] =	sst s10  }
0x32: {  	s10 =	sld [smem:$0x3FB4];
	_ =	sdelay $0x3  }
0x33: {  	p0 =	seq.s32 s10, $0x1;
	s10 =	sld [smem:$0x3FB6];
	_ =	sdelay $0x3  }
0x34: {  	[smem:$0x3FB6] =	sst s10  }
0x35: {  	s10 =	sld [smem:$0x3FB5];
	_ =	sdelay $0x3  }
0x36: {  	p1 =	seq.s32 s10, $0x1;
	s10 =	sld [smem:$0x3FB6];
	_ =	sdelay $0x3  }
0x37: {  	[smem:$0x3FB6] =	sst s10  }
0x38: {  	s10 =	sld [smem:$0x3FB7]  }
0x39: {  	_ = 	snop;
	(pc) =	sbr.ind lr, $3  }
0x3a: {  	_ = 	snop  }
0x3b: {  	_ = 	snop  }
0x3c: {  	p2 =	seq.s32 s10, $0x1;
	s10 =	sld [smem:$0x3FB6]  }
0x3d: {  	_ =	shalt  }
0x3e: {  	_ =	shalt  }
0x3f: {  	_ =	shalt  }
0x40: {  	_ =	shalt  }
0x41: {  	_ =	shalt  }
0x42: {  	_ =	shalt  }
0x43: {  	_ =	shalt  }
0x44: {  	_ =	shalt  }
0x45: {  	_ =	shalt  }
0x46: {  	_ =	shalt  }
0x47: {  	_ =	shalt  }
0x48: {  	_ =	shalt  }
0x49: {  	_ =	shalt  }
0x4a: {  	_ =	shalt  }
0x4b: {  	_ =	shalt  }
0x4c: {  	_ =	shalt  }
0x4d: {  	_ =	shalt  }
0x4e: {  	_ =	shalt  }
0x4f: {  	_ =	shalt  }
0x50: {  	_ =	shalt  }
0x51: {  	_ =	shalt  }
0x52: {  	_ =	shalt  }
0x53: {  	_ =	shalt  }
0x54: {  	_ =	shalt  }
0x55: {  	_ =	shalt  }
0x56: {  	_ =	shalt  }
0x57: {  	_ =	shalt  }
0x58: {  	_ =	shalt  }
0x59: {  	_ =	shalt  }
0x5a: {  	_ =	shalt  }
0x5b: {  	_ =	shalt  }
0x5c: {  	_ =	shalt  }
0x5d: {  	_ =	shalt  }
0x5e: {  	_ =	shalt  }
0x5f: {  	_ =	shalt  }
0x60: {  	_ =	shalt  }
0x61: {  	_ =	shalt  }
0x62: {  	_ =	shalt  }
0x63: {  	_ =	shalt  }
0x64: {  	_ =	shalt  }
0x65: {  	_ =	shalt  }
0x66: {  	_ =	shalt  }
0x67: {  	_ =	shalt  }
0x68: {  	_ =	shalt  }
0x69: {  	_ =	shalt  }
0x6a: {  	_ =	shalt  }
0x6b: {  	_ =	shalt  }
0x6c: {  	_ =	shalt  }
0x6d: {  	_ =	shalt  }
0x6e: {  	_ =	shalt  }
0x6f: {  	_ =	shalt  }
0x70: {  	_ =	shalt  }
0x71: {  	_ =	shalt  }
0x72: {  	_ =	shalt  }
0x73: {  	_ =	shalt  }
0x74: {  	_ =	shalt  }
0x75: {  	_ =	shalt  }
0x76: {  	_ =	shalt  }
0x77: {  	_ =	shalt  }
0x78: {  	_ =	shalt  }
0x79: {  	_ =	shalt  }
0x7a: {  	_ =	shalt  }
0x7b: {  	_ =	shalt  }
0x7c: {  	_ =	shalt  }
0x7d: {  	_ =	shalt  }
0x7e: {  	_ =	shalt  }
0x7f: {  	_ =	shalt  }
0x80: {  	_ =	shalt  }
0x81: {  	_ =	shalt  }
0x82: {  	_ =	shalt  }
0x83: {  	_ =	shalt  }
0x84: {  	_ =	shalt  }
0x85: {  	_ =	shalt  }
0x86: {  	_ =	shalt  }
0x87: {  	_ =	shalt  }
.Lfunc_end0:
.L_simem_size_0:
called_computation.1_lowered:
.L_overlay_start_0:
0x88: {  	s2 =	sld [smem:$0x3FD9]  }
0x89: {  	s3 =	sld [smem:$0x3FFE];
	_ =	sdelay $0x1  }
0x8a: {  	s1 =	srdreg.scid  }
0x8b: {  	s0 =	sand.u32 $0x1, s1  }
0x8c: {  	s17 =	sshll.u32 s0, $0xA;
	s2 =	sadd.s32 s3, s2  }
0x8d: {  	s2 =	sadd.s32 s2, s17  }
0x8e: {  	[smem:$0x3FC2] =	sst s2  }
0x8f: {  	_ = 	snop  }
0x90: {  	s2 =	sld [smem:$0x3FD0];
	(tm) =	ssettm $0x1  }
0x91: {  	s18 =	sld [smem:$0x3FFB];
	_ =	sdelay $0x3  }
0x92: {  	_ =	strace s18  }
0x93: {  	s3 =	sld [smem:$0x3FFC];
	_ =	sdelay $0x3  }
0x94: {  	_ =	strace s3  }
0x95: {  	s3 =	sld [smem:$0x3FFD];
	_ =	sdelay $0x3  }
0x96: {  	_ =	strace s3  }
0x97: {  	_ =	strace $0x8FFFFFFF  }
0x98: {  	s19 =	sld [smem:$0x3FDB];
	_ =	sdelay $0x1  }
0x99: {  	s4 =	simm.s32 $_scs_section_size  }
0x9a: {  	s5 =	simm.s32 $_size__tile_overlayer_lowered;
	s6 =	simm.s32 $_tile_overlayer_lowered  }
0x9b: {  	s22 =	simm.s32 $0x1BFF;
	s21 =	sshll.u32 s6, $0x1;
	s3 =	sadd.s32 s4, s19  }
0x9c: {  	s7 =	simm.s32 $0x0;
	s20 =	sshll.u32 s5, $0x1;
	s5 =	sadd.s32 s21, s3  }
0x9d: {  	[timem:s7], [sflag:s22] =	dma.local [hbm:s5], s20  }
0x9e: {  	_ =	swait.ge [sflag:s22], s20  }
0x9f: {  	s4 =	ssub.s32 $0x0, s20;
	[sflag:s22] =	ssyncset.done $0x0  }
0xa0: {  	[sflag:s22] =	ssyncadd.s32 s4;
	_ =	sdelay $0x1  }
0xa1: {  	s23 =	simm.s32 $0x1B8B  }
0xa2: {  	_ =	swait.ge [sflag:s23], $0x1  }
0xa3: {  	[sflag:s23] =	ssyncset.done $0x0  }
0xa4: {  	s25 =	simm.s32 $0x1B8E;
	s24 =	sld [smem:$0x3FFE];
	[sflag:s23] =	ssyncadd.s32 $0xFFFFFFFF  }
0xa5: {  	s26 =	simm.s32 $execute0_lowered;
	[smem:$0x3FD2] =	sst s25  }
0xa6: {  	s5 =	sshll.u32 s26, $0x1;
	_ =	strace $0x80000049;
	[dreg:$0x1] =	wrdreg $0xFFFFFFFF  }
0xa7: {  	s28 =	simm.s32 $_size_execute0_lowered;
	s3 =	sadd.s32 s3, s5;
	[dreg:$0x0] =	wrdreg $0x0  }
0xa8: {  	s5 =	sshll.u32 s28, $0x1;
	[dreg:$0x2] =	wrdreg s3  }
0xa9: {  	[dreg:$0x3] =	wrdreg s5  }
0xaa: {  	[dreg:$0x4] =	wrdreg $0xC0  }
0xab: {  	_ =	task [dreg:s7], $0x5FFFF  }
0xac: {  	[dreg:$0x1] =	wrdreg $0xFFFFFFFF  }
0xad: {  	[dreg:$0x0] =	wrdreg $0x60  }
0xae: {  	[dreg:$0x2] =	wrdreg s2  }
0xaf: {  	[dreg:$0x3] =	wrdreg s24  }
0xb0: {  	[dreg:$0x4] =	wrdreg $0xA8000  }
0xb1: {  	[dreg:$0x5] =	wrdreg $0x9  }
0xb2: {  	_ =	task.clear_ibuf [dreg:s7], $0x6FFFF;
	_ =	strace $0x90000049  }
0xb3: {  	s29 =	simm.s32 $0x9;
	_ =	strace $0x8000004B  }
0xb4: {  	_ =	swait.ge [sflag:s29], $0x1  }
0xb5: {  	[sflag:s29] =	ssyncadd.s32 $0xFFFFFFFF  }
0xb6: {  	_ =	strace $0x9000004B  }
0xb7: {  	_ =	sfence  }
0xb8: {  	s30 =	sld [smem:$0x0];
	_ =	sdelay $0x2  }
0xb9: {  	s31 =	sshll.u32 s1, $0xD;
	s1 =	sshrl.u32 s1, $0x2  }
0xba: {  	s3 =	sand.u32 $0x4000, s31;
	s1 =	sadd.s32 s1, s30  }
0xbb: {  	s0 =	sor.u32 s3, s0;
	s1 =	sshll.u32 s1, $0x11  }
0xbc: {  	s0 =	sor.u32 s1, s0  }
0xbd: {  	s0 =	sadd.s32 $0x8F2B, s0  }
0xbe: {  	[sflag:s0] =	ssyncadd.remote.s32 $0x1  }
0xbf: {  	_ =	sfence.sel $0xFFFF  }
0xc0: {  	[dreg:$0x0] =	wrdreg $0xFFFFFFFF;
	(pc) =	sbr.abs _section_cstart, $3  }
0xc1: {  	[dreg:$0x1] =	wrdreg $0xFFFFFFFF  }
0xc2: {  	_ =	task.clear_ibuf [dreg:s7], $0x2FFFF;
	_ =	strace $0x9FFFFFFF  }
0xc3: {  	(tm) =	ssettm $0x7FFFFFFF  }
tec
execute0_lowered:
.L_overlay_start_1:
0x0: {  	(tag) =	ssettag $0x1  }
0x1: {  	s1 =	rddreg [dreg:$0x0]  }
0x2: {  	s6 =	rddreg [dreg:$0x1]  }
0x3: {  	s0 =	srdreg.scid;
	s3 =	rddreg [dreg:$0x2]  }
0x4: {  	s4 =	simm.s32 $0x0;
	s13 =	simm.s32 $0x80;
	s14 =	simm.s32 $0x2800  }
0x5: {  	s15 =	simm.s32 $0x100;
	s16 =	simm.s32 $0x6800;
	s17 =	simm.s32 $0x1  }
0x6: {  	s18 =	simm.s32 $0x2;
	s5 =	sand.u32 $0x1, s0;
	s0 =	stileid.u32  }
0x7: {  	s19 =	simm.s32 $0x2680;
	s20 =	simm.s32 $0x2780;
	s8 =	smul.u32 $0x14000, s0  }
0x8: {  	s21 =	simm.s32 $0x0;
	[smem:$0x7FF] =	sst s4;
	s9 =	smul.u32 $0x140000, s5  }
0x9: {  	s2 =	sshll.u32 s5, $0x4;
	s5 =	ssub.s32 $0x2, s5;
	s28 =	smul.u32 $0x50000, s0  }
0xa: {  	s31 =	sshll.u32 s0, $0x6;
	s2 =	sor.u32 s0, s2;
	s29 =	sshrl.u32 s5, $0x1  }
0xb: {  	s7 =	smul.u32 $0x5000, s2;
	s2 =	rddreg [dreg:$0x3];
	_ =	strace $0x8000004A  }
0xc: {  	s26 =	sshrl.u32 s8, $0x3;
	s8 =	sadd.s32 s8, s9;
	s11 =	ssub.s32 s5, s29  }
0xd: {  	s30 =	sshrl.u32 s28, $0x2;
	s8 =	sshrl.u32 s8, $0x3;
	s7 =	sshrl.u32 s7, $0x3  }
0xe: {  	s12 =	sadd.s32 s30, s3;
	s10 =	sadd.s32 s7, s6;
	s7 =	sadd.s32 s26, s6  }
0xf: {  	s8 =	sadd.s32 s8, s6;
	s6 =	sor.u32 $0x1C03, s31;
	s5 =	sadd.s32 $0x2200, s7  }
0x10: {  	s7 =	sadd.s32 $0x8E200, s8;
	s8 =	smax.u32 s11, $0x1;
	s9 =	sadd.s32 $0x7A200, s10  }
0x11: {  	s10 =	sadd.s32 $0x7A700, s10;
	s11 =	sshrl.u32 s12, $0x3;
	s12 =	simm.s32 $0x3  }
.LBB2_1:
0x12: {  	[spmem:s11], [sflag:s6] =	dma.local [hbm:s5], $0x2800  }
0x13: {  	_ =	swait.ge [sflag:s12], $0x2800  }
0x14: {  	[sflag:s12] =	ssyncset.done $0x0  }
0x15: {  	[sflag:s12] =	ssyncadd.s32 $0xFFFFD800  }
0x16: {  	[bflag:$0x0] =	sbarrier.arrive $0xFFFF  }
0x17: {  	[tilespmem:s4], [sflag:$0x3] =	stream.linear.gather [hbm4b:s9+s4], $0x2800, $0x38;
	[tilespmem:$0x1E800] =	vst v63  }
0x18: {  	_ =	swait.ge [sflag:s12], $0x2800  }
0x19: {  	[sflag:s12] =	ssyncset.done $0x0  }
0x1a: {  	[sflag:s12] =	ssyncadd.s32 $0xFFFFD800  }
0x1b: {  	[tilespmem:s14], [sflag:$0x1] =	stream.indirect.gather [hbm4b:s1+s13], $0x80, s4, s13, $0xb8;
	[tilespmem:$0x1E800] =	vst v63  }
0x1c: {  	_ = 	snop  }
0x1d: {  	[tilespmem:s16], [sflag:$0x2] =	stream.indirect.gather [hbm4b:s1+s13], $0x80, s15, s13, $0xb8;
	[tilespmem:$0x1E800] =	vst v63  }
0x1e: {  	_ =	swait.ge [sflag:s17], $0x4000  }
0x1f: {  	[sflag:s17] =	ssyncset.done $0x0  }
0x20: {  	s22 =	simm.s32 $0x80;
	[sflag:s17] =	ssyncadd.s32 $0xFFFFC000  }
0x21: {  	[spmem:s3] =	stream.indirect.scatter.add.f32 [tilespmem:s14], [sflag:$0x3], $0x80, s22, s13, $0xb8;
	[tilespmem:$0x1E800] =	vst v63  }
0x22: {  	_ =	swait.ge [sflag:s12], $0x4000  }
0x23: {  	[sflag:s12] =	ssyncset.done $0x0  }
0x24: {  	s30 =	simm.s32 $0x200;
	[sflag:s12] =	ssyncadd.s32 $0xFFFFC000  }
0x25: {  	[tilespmem:s14], [sflag:$0x1] =	stream.indirect.gather [hbm4b:s1+s13], $0x80, s30, s13, $0xb8;
	[tilespmem:$0x1E800] =	vst v63  }
0x26: {  	_ =	swait.ge [sflag:s18], $0x4000  }
0x27: {  	[sflag:s18] =	ssyncset.done $0x0  }
0x28: {  	s31 =	simm.s32 $0x180;
	[sflag:s18] =	ssyncadd.s32 $0xFFFFC000  }
0x29: {  	[spmem:s3] =	stream.indirect.scatter.add.f32 [tilespmem:s16], [sflag:$0x3], $0x80, s31, s13, $0xb8;
	[tilespmem:$0x1E800] =	vst v63  }
0x2a: {  	_ =	swait.ge [sflag:s12], $0x4000  }
0x2b: {  	[sflag:s12] =	ssyncset.done $0x0  }
0x2c: {  	s23 =	simm.s32 $0x300;
	s22 =	simm.s32 $0xFFFF7000;
	[sflag:s12] =	ssyncadd.s32 $0xFFFFC000  }
.LBB2_2:
0x2d: {  	[tilespmem:s16], [sflag:$0x2] =	stream.indirect.gather [hbm4b:s1+s13], $0x80, s23, s13, $0xb8;
	[tilespmem:$0x1E800] =	vst v63  }
0x2e: {  	s23 =	smov.u32 s22  }
0x2f: {  	p0 =	sne.s32 s22, $0xFFFFF800;
	s22 =	sadd.s32 $0x800, s22;
	_ =	swait.ge [sflag:s17], $0x4000  }
0x30: {  	s23 =	sshra.s32 s23, $0x2;
	[sflag:s17] =	ssyncset.done $0x0  }
0x31: {  	s24 =	sadd.s32 $0x2680, s23;
	[sflag:s17] =	ssyncadd.s32 $0xFFFFC000  }
0x32: {  	[spmem:s3] =	stream.indirect.scatter.add.f32 [tilespmem:s14], [sflag:$0x3], $0x80, s24, s13, $0xb8;
	[tilespmem:$0x1E800] =	vst v63  }
0x33: {  	_ =	swait.ge [sflag:s12], $0x4000  }
0x34: {  	[sflag:s12] =	ssyncset.done $0x0  }
0x35: {  	s24 =	sadd.s32 $0x2800, s23;
	[sflag:s12] =	ssyncadd.s32 $0xFFFFC000  }
0x36: {  	[tilespmem:s14], [sflag:$0x1] =	stream.indirect.gather [hbm4b:s1+s13], $0x80, s24, s13, $0xb8;
	[tilespmem:$0x1E800] =	vst v63  }
0x37: {  	_ =	swait.ge [sflag:s18], $0x4000  }
0x38: {  	[sflag:s18] =	ssyncset.done $0x0  }
.Ltmp0:
0x39: {  	s24 =	sadd.s32 $0x2780, s23;
	[sflag:s18] =	ssyncadd.s32 $0xFFFFC000;
	(pc) =	sbr.rel @p0 .LBB2_2-.Ltmp0, $4  }
0x3a: {  	[spmem:s3] =	stream.indirect.scatter.add.f32 [tilespmem:s16], [sflag:$0x3], $0x80, s24, s13, $0xb8;
	[tilespmem:$0x1E800] =	vst v63  }
0x3b: {  	_ =	swait.ge [sflag:s12], $0x4000  }
0x3c: {  	[sflag:s12] =	ssyncset.done $0x0  }
0x3d: {  	s23 =	sadd.s32 $0x2900, s23;
	[sflag:s12] =	ssyncadd.s32 $0xFFFFC000  }
0x3e: {  	[tilespmem:s16], [sflag:$0x2] =	stream.indirect.gather [hbm4b:s1+s13], $0x80, s23, s13, $0xb8;
	[tilespmem:$0x1E800] =	vst v63  }
0x3f: {  	_ =	swait.ge [sflag:s17], $0x4000  }
0x40: {  	[sflag:s17] =	ssyncset.done $0x0  }
0x41: {  	[sflag:s17] =	ssyncadd.s32 $0xFFFFC000  }
0x42: {  	[spmem:s3] =	stream.indirect.scatter.add.f32 [tilespmem:s14], [sflag:$0x3], $0x80, s19, s13, $0xb8;
	[tilespmem:$0x1E800] =	vst v63  }
0x43: {  	_ =	swait.ge [sflag:s12], $0x4000  }
0x44: {  	[sflag:s12] =	ssyncset.done $0x0  }
0x45: {  	[sflag:s12] =	ssyncadd.s32 $0xFFFFC000  }
0x46: {  	_ =	swait.ge [sflag:s18], $0x4000  }
0x47: {  	[sflag:s18] =	ssyncset.done $0x0  }
0x48: {  	[sflag:s18] =	ssyncadd.s32 $0xFFFFC000  }
0x49: {  	[spmem:s3] =	stream.indirect.scatter.add.f32 [tilespmem:s16], [sflag:$0x3], $0x80, s20, s13, $0xb8;
	[tilespmem:$0x1E800] =	vst v63  }
0x4a: {  	_ =	swait.ge [sflag:s12], $0x4000  }
0x4b: {  	[sflag:s12] =	ssyncset.done $0x0  }
0x4c: {  	[sflag:s12] =	ssyncadd.s32 $0xFFFFC000  }
0x4d: {  	[tilespmem:s4], [sflag:$0x3] =	stream.linear.gather [hbm4b:s10+s4], $0x2800, $0x38;
	[tilespmem:$0x1E800] =	vst v63  }
0x4e: {  	_ =	swait.ge [sflag:s12], $0x2800  }
0x4f: {  	[sflag:s12] =	ssyncset.done $0x0  }
0x50: {  	[sflag:s12] =	ssyncadd.s32 $0xFFFFD800  }
0x51: {  	[tilespmem:s14], [sflag:$0x1] =	stream.indirect.gather [hbm4b:s1+s13], $0x80, s4, s13, $0xb8;
	[tilespmem:$0x1E800] =	vst v63  }
0x52: {  	_ = 	snop  }
0x53: {  	[tilespmem:s16], [sflag:$0x2] =	stream.indirect.gather [hbm4b:s1+s13], $0x80, s15, s13, $0xb8;
	[tilespmem:$0x1E800] =	vst v63  }
0x54: {  	_ =	swait.ge [sflag:s17], $0x4000  }
0x55: {  	[sflag:s17] =	ssyncset.done $0x0  }
0x56: {  	s22 =	simm.s32 $0x80;
	[sflag:s17] =	ssyncadd.s32 $0xFFFFC000  }
0x57: {  	[spmem:s3] =	stream.indirect.scatter.add.f32 [tilespmem:s14], [sflag:$0x3], $0x80, s22, s13, $0xb8;
	[tilespmem:$0x1E800] =	vst v63  }
0x58: {  	_ =	swait.ge [sflag:s12], $0x4000  }
0x59: {  	[sflag:s12] =	ssyncset.done $0x0  }
0x5a: {  	s30 =	simm.s32 $0x200;
	[sflag:s12] =	ssyncadd.s32 $0xFFFFC000  }
0x5b: {  	[tilespmem:s14], [sflag:$0x1] =	stream.indirect.gather [hbm4b:s1+s13], $0x80, s30, s13, $0xb8;
	[tilespmem:$0x1E800] =	vst v63  }
0x5c: {  	_ =	swait.ge [sflag:s18], $0x4000  }
0x5d: {  	[sflag:s18] =	ssyncset.done $0x0  }
0x5e: {  	s31 =	simm.s32 $0x180;
	[sflag:s18] =	ssyncadd.s32 $0xFFFFC000  }
0x5f: {  	[spmem:s3] =	stream.indirect.scatter.add.f32 [tilespmem:s16], [sflag:$0x3], $0x80, s31, s13, $0xb8;
	[tilespmem:$0x1E800] =	vst v63  }
0x60: {  	_ =	swait.ge [sflag:s12], $0x4000  }
0x61: {  	[sflag:s12] =	ssyncset.done $0x0  }
0x62: {  	s23 =	simm.s32 $0x300;
	s22 =	simm.s32 $0xFFFF7000;
	[sflag:s12] =	ssyncadd.s32 $0xFFFFC000  }
.LBB2_4:
0x63: {  	[tilespmem:s16], [sflag:$0x2] =	stream.indirect.gather [hbm4b:s1+s13], $0x80, s23, s13, $0xb8;
	[tilespmem:$0x1E800] =	vst v63  }
0x64: {  	s23 =	smov.u32 s22  }
0x65: {  	p0 =	sne.s32 s22, $0xFFFFF800;
	s22 =	sadd.s32 $0x800, s22;
	_ =	swait.ge [sflag:s17], $0x4000  }
0x66: {  	s23 =	sshra.s32 s23, $0x2;
	[sflag:s17] =	ssyncset.done $0x0  }
0x67: {  	s24 =	sadd.s32 $0x2680, s23;
	[sflag:s17] =	ssyncadd.s32 $0xFFFFC000  }
0x68: {  	[spmem:s3] =	stream.indirect.scatter.add.f32 [tilespmem:s14], [sflag:$0x3], $0x80, s24, s13, $0xb8;
	[tilespmem:$0x1E800] =	vst v63  }
0x69: {  	_ =	swait.ge [sflag:s12], $0x4000  }
0x6a: {  	[sflag:s12] =	ssyncset.done $0x0  }
0x6b: {  	s24 =	sadd.s32 $0x2800, s23;
	[sflag:s12] =	ssyncadd.s32 $0xFFFFC000  }
0x6c: {  	[tilespmem:s14], [sflag:$0x1] =	stream.indirect.gather [hbm4b:s1+s13], $0x80, s24, s13, $0xb8;
	[tilespmem:$0x1E800] =	vst v63  }
0x6d: {  	_ =	swait.ge [sflag:s18], $0x4000  }
0x6e: {  	[sflag:s18] =	ssyncset.done $0x0  }
.Ltmp1:
0x6f: {  	s24 =	sadd.s32 $0x2780, s23;
	[sflag:s18] =	ssyncadd.s32 $0xFFFFC000;
	(pc) =	sbr.rel @p0 .LBB2_4-.Ltmp1, $4  }
0x70: {  	[spmem:s3] =	stream.indirect.scatter.add.f32 [tilespmem:s16], [sflag:$0x3], $0x80, s24, s13, $0xb8;
	[tilespmem:$0x1E800] =	vst v63  }
0x71: {  	_ =	swait.ge [sflag:s12], $0x4000  }
0x72: {  	[sflag:s12] =	ssyncset.done $0x0  }
0x73: {  	s23 =	sadd.s32 $0x2900, s23;
	[sflag:s12] =	ssyncadd.s32 $0xFFFFC000  }
0x74: {  	[tilespmem:s16], [sflag:$0x2] =	stream.indirect.gather [hbm4b:s1+s13], $0x80, s23, s13, $0xb8;
	[tilespmem:$0x1E800] =	vst v63  }
0x75: {  	_ =	swait.ge [sflag:s17], $0x4000  }
0x76: {  	[sflag:s17] =	ssyncset.done $0x0  }
0x77: {  	[sflag:s17] =	ssyncadd.s32 $0xFFFFC000  }
0x78: {  	[spmem:s3] =	stream.indirect.scatter.add.f32 [tilespmem:s14], [sflag:$0x3], $0x80, s19, s13, $0xb8;
	[tilespmem:$0x1E800] =	vst v63  }
0x79: {  	_ =	swait.ge [sflag:s12], $0x4000  }
0x7a: {  	[sflag:s12] =	ssyncset.done $0x0  }
0x7b: {  	[sflag:s12] =	ssyncadd.s32 $0xFFFFC000  }
0x7c: {  	_ =	swait.ge [sflag:s18], $0x4000  }
0x7d: {  	[sflag:s18] =	ssyncset.done $0x0  }
0x7e: {  	[sflag:s18] =	ssyncadd.s32 $0xFFFFC000  }
0x7f: {  	[spmem:s3] =	stream.indirect.scatter.add.f32 [tilespmem:s16], [sflag:$0x3], $0x80, s20, s13, $0xb8;
	[tilespmem:$0x1E800] =	vst v63  }
0x80: {  	_ =	swait.ge [sflag:s12], $0x4000  }
0x81: {  	s21 =	sadd.s32 $0x1, s21;
	[sflag:s12] =	ssyncset.done $0x0  }
0x82: {  	p0 =	sne.s32 s21, s8;
	[sflag:s12] =	ssyncadd.s32 $0xFFFFC000  }
.Ltmp2:
0x83: {  	[bflag:$0x0] =	sbarrier.arrive $0xFFFF;
	(pc) =	sbr.rel @p0 .LBB2_1-.Ltmp2, $4  }
0x84: {  	[hbm:s7], [sflag:s6] =	dma.local [spmem:s11], $0x2800  }
0x85: {  	_ =	swait.ge [sflag:s12], $0x2800  }
0x86: {  	[sflag:s12] =	ssyncset.done $0x0  }
0x87: {  	[sflag:s12] =	ssyncadd.s32 $0xFFFFD800  }
0x88: {  	_ =	sfence.sel $0x180000  }
0x89: {  	[bflag:$0x0] =	sbarrier.arrive $0xFFFF  }
0x8a: {  	p0 =	sne.s32 s0, $0x0;
	_ =	strace $0x9000004A  }
0x8b: {  	s0 =	sadd.s32 @!p0 $0x100000, s2;
	[bflag:$0x2] =	sbarrier.arrive $0xFFFF  }
0x8c: {  	[sflag:s0] =	ssyncadd.tile.s32 @!p0 $0x1;
	_ =	shalt  }
.Lfunc_end2:
_tile_overlayer_lowered:
.L_overlay_start_2:
0x8d: {  	(tag) =	ssettag $0x2  }
0x8e: {  	s0 =	rddreg [dreg:$0x0];
	s2 =	stileid.u32  }
0x8f: {  	s1 =	rddreg [dreg:$0x1];
	p0 =	sne.s32 s2, $0x0  }
0x90: {  	s3 =	rddreg [dreg:$0x2];
	[bflag:$0x3] =	sbarrier.arrive $0xFFFF;
	s2 =	simm.s32 @!p0 $0x1C03  }
0x91: {  	[timem:s3], [sflag:s2] =	dma.local @!p0 [hbm:s0], s1  }
0x92: {  	s0 =	simm.s32 @!p0 $0x3  }
0x93: {  	_ =	swait.ge @!p0 [sflag:s0], s1  }
0x94: {  	s1 =	ssub.s32 @!p0 $0x0, s1;
	[sflag:s0] =	ssyncset.done @!p0 $0x0  }
0x95: {  	[sflag:s0] =	ssyncadd.s32 @!p0 s1  }
0x96: {  	[bflag:$0x3] =	sbarrier.arrive $0xFFFF  }
0x97: {  	_ =	shalt  }

</sc_bundles>
